<compile_context>
chip_gen: v7x
topology: tpu7x:2x2x1
jax: 0.10.2.dev20260603
libtpu: 0.0.44.dev20260713+nightly
codegen_flags: <defaults>
</compile_context>

<pallas_src>
import functools

import jax
import jax.numpy as jnp
from jax import lax
from jax.experimental import pallas as pl
from jax.experimental.pallas import tpu as pltpu
from jax.experimental.pallas import tpu_sc as plsc


def _broadcast_emb(B, S, D, dtype):
    info = plsc.get_sparse_core_info()
    nw = info.num_cores * info.num_subcores
    rows_per_w = S // nw
    sizes = [120, 120, 16]
    offs = [0, 120, 240]
    assert sum(sizes) == rows_per_w
    mesh = plsc.VectorSubcoreMesh(core_axis_name="c", subcore_axis_name="s")

    @functools.partial(
        pl.kernel,
        mesh=mesh,
        out_type=jax.ShapeDtypeStruct((B, S, D), dtype),
        scratch_types=[
            pltpu.VMEM((120, D), dtype),
            pltpu.SemaphoreType.DMA,
        ],
    )
    def k(emb_hbm, out_hbm, buf, sem):
        wid = lax.axis_index("s") * info.num_cores + lax.axis_index("c")
        base = wid * rows_per_w
        for i in range(len(sizes)):
            r0 = base + offs[i]
            pltpu.sync_copy(
                emb_hbm.at[pl.ds(r0, sizes[i]), :],
                buf.at[pl.ds(0, sizes[i]), :],
            )
            copies = [
                pltpu.async_copy(
                    buf.at[pl.ds(0, sizes[i]), :],
                    out_hbm.at[b, pl.ds(r0, sizes[i]), :],
                    sem,
                )
                for b in range(B)
            ]
            for c in copies:
                c.wait()

    return k


def kernel(x, emb):
    B, S, D = x.shape
    return _broadcast_emb(B, S, D, emb.dtype)(emb)

# --- scband reference (transcript-rebuilt; emitter-appended) ---
"""Pipeline reference for scband-absolute-positional-embedding-31370441130032 (READ-ONLY COPY).

The authoritative reference and input builder live on the scoring server;
editing this copy changes nothing except your own understanding.
"""

import jax, jax.numpy as jnp
import numpy as np

DIM = 1024
MAX_SEQ_LEN = 8192
BATCH = 4
SEQ_LEN = 8192

def setup_inputs(seed: int = 0) -> dict:
    key = jax.random.key(seed)
    k1, k2 = jax.random.split(key)
    x = jax.random.normal(k1, (BATCH, SEQ_LEN, DIM), dtype=jnp.float32)
    emb = jax.random.normal(k2, (MAX_SEQ_LEN, DIM), dtype=jnp.float32) * 0.02
    return {"x": x, "emb": emb}

def reference(x, emb):
    batch_size, seq_len, _ = x.shape
    positions = jnp.arange(seq_len)
    pos_emb = jnp.take(emb, positions, axis=0)
    pos_emb = jnp.broadcast_to(pos_emb[None, :, :], (batch_size, seq_len, pos_emb.shape[-1]))
    return pos_emb

if __name__ == "__main__":
    import jax
    _d = setup_inputs()
    print(jax.jit(kernel)(*tuple(_d.values())))

</pallas_src>

<mosaic_0001>
#map = affine_map<(d0, d1) -> (0, 0)>
#map1 = affine_map<(d0, d1) -> (0, 0, 0)>
module attributes {stable_mosaic.version = 14 : i64} {
  func.func @k(%arg0: i32, %arg1: i32, %arg2: memref<8192x1024xf32, #tpu.memory_space<hbm>>, %arg3: memref<4x8192x1024xf32, #tpu.memory_space<hbm>>, %arg4: memref<120x1024xf32, #tpu.memory_space<vmem>>, %arg5: memref<!tpu.dma_semaphore, #tpu.memory_space<semaphore_mem>>) attributes {dimension_semantics = [#tpu.dimension_semantics<core_parallel>, #tpu.dimension_semantics<subcore_parallel>], iteration_bounds = array<i64: 2, 16>, scalar_prefetch = 0 : i64, scratch_operands = 2 : i64, tpu.core_type = #tpu.core_type<sc_vector_subcore>, window_params = [{transform_indices = #map}, {transform_indices = #map1}]} {
    %mul3A = arith.constant 2 : i32
    %mul3A_0 = arith.muli %arg1, %mul3A : i32
    %add3A = arith.addi %mul3A_0, %arg0 : i32
    %mul3A_1 = arith.constant 256 : i32
    %mul3A_2 = arith.muli %add3A, %mul3A_1 : i32
    %add3A_3 = arith.constant 0 : i32
    %add3A_4 = arith.addi %mul3A_2, %add3A_3 : i32
    "tpu.region"() ({
      %run_scoped3A = tpu.sem_alloc : memref<!tpu.dma_semaphore, #tpu.memory_space<semaphore_mem>>
      %dma_start3A_319 = arith.constant 0 : i32
      %dma_start3A_320 = arith.constant 0 : i32
      %dma_start3A_321 = tpu.memref_slice %arg4[%dma_start3A_319, %dma_start3A_320] : memref<120x1024xf32, #tpu.memory_space<vmem>> -> memref<120x1024xf32, #tpu.memory_space<vmem>>
      %dma_start3A_322 = arith.constant 0 : i32
      %dma_start3A_323 = tpu.memref_slice %arg2[%add3A_4, %dma_start3A_322] : memref<8192x1024xf32, #tpu.memory_space<hbm>> -> memref<120x1024xf32, #tpu.memory_space<hbm>>
      %dma_start3A_324 = arith.constant 0 : i32
      %dma_start3A_325 = arith.constant 0 : i32
      %dma_start3A_326 = tpu.memref_slice %arg4[%dma_start3A_324, %dma_start3A_325] : memref<120x1024xf32, #tpu.memory_space<vmem>> -> memref<120x1024xf32, #tpu.memory_space<vmem>>
      %dma_start3A_327 = arith.constant 0 : i32
      %dma_start3A_328 = tpu.memref_slice %arg2[%add3A_4, %dma_start3A_327] : memref<8192x1024xf32, #tpu.memory_space<hbm>> -> memref<120x1024xf32, #tpu.memory_space<hbm>>
      tpu.enqueue_dma source(%dma_start3A_328 : memref<120x1024xf32, #tpu.memory_space<hbm>>) target(%dma_start3A_326 : memref<120x1024xf32, #tpu.memory_space<vmem>>) target_semaphore(%run_scoped3A : memref<!tpu.dma_semaphore, #tpu.memory_space<semaphore_mem>>)
      %dma_wait3A_329 = arith.constant 0 : i32
      %dma_wait3A_330 = arith.constant 0 : i32
      %dma_wait3A_331 = tpu.memref_slice %arg4[%dma_wait3A_329, %dma_wait3A_330] : memref<120x1024xf32, #tpu.memory_space<vmem>> -> memref<120x1024xf32, #tpu.memory_space<vmem>>
      %dma_wait3A_332 = arith.constant 0 : i32
      %dma_wait3A_333 = tpu.memref_slice %arg2[%add3A_4, %dma_wait3A_332] : memref<8192x1024xf32, #tpu.memory_space<hbm>> -> memref<120x1024xf32, #tpu.memory_space<hbm>>
      %dma_wait3A_334 = arith.constant 0 : i32
      %dma_wait3A_335 = arith.constant 0 : i32
      %dma_wait3A_336 = tpu.memref_slice %arg4[%dma_wait3A_334, %dma_wait3A_335] : memref<120x1024xf32, #tpu.memory_space<vmem>> -> memref<120x1024xf32, #tpu.memory_space<vmem>>
      %dma_wait3A_337 = arith.constant 0 : i32
      %dma_wait3A_338 = tpu.memref_slice %arg2[%add3A_4, %dma_wait3A_337] : memref<8192x1024xf32, #tpu.memory_space<hbm>> -> memref<120x1024xf32, #tpu.memory_space<hbm>>
      tpu.wait_dma2 semaphore(%run_scoped3A : memref<!tpu.dma_semaphore, #tpu.memory_space<semaphore_mem>>) src(%dma_wait3A_338 : memref<120x1024xf32, #tpu.memory_space<hbm>>) dst(%dma_wait3A_336 : memref<120x1024xf32, #tpu.memory_space<vmem>>)
      tpu.yield
    }) : () -> ()
    %dma_start3A = arith.constant 0 : i32
    %dma_start3A_5 = arith.constant 0 : i32
    %dma_start3A_6 = arith.constant 0 : i32
    %dma_start3A_7 = tpu.memref_slice %arg4[%dma_start3A_5, %dma_start3A_6] : memref<120x1024xf32, #tpu.memory_space<vmem>> -> memref<120x1024xf32, #tpu.memory_space<vmem>>
    %dma_start3A_8 = arith.constant 0 : i32
    %dma_start3A_9 = tpu.memref_slice %arg3[%dma_start3A, %add3A_4, %dma_start3A_8] : memref<4x8192x1024xf32, #tpu.memory_space<hbm>> -> memref<1x120x1024xf32, #tpu.memory_space<hbm>>
    %dma_start3A_10 = tpu.memref_squeeze %dma_start3A_9 : memref<1x120x1024xf32, #tpu.memory_space<hbm>> -> memref<120x1024xf32, #tpu.memory_space<hbm>>
    %dma_start3A_11 = arith.constant 0 : i32
    %dma_start3A_12 = tpu.memref_slice %arg3[%dma_start3A, %add3A_4, %dma_start3A_11] : memref<4x8192x1024xf32, #tpu.memory_space<hbm>> -> memref<1x120x1024xf32, #tpu.memory_space<hbm>>
    %dma_start3A_13 = tpu.memref_squeeze %dma_start3A_12 : memref<1x120x1024xf32, #tpu.memory_space<hbm>> -> memref<120x1024xf32, #tpu.memory_space<hbm>>
    %dma_start3A_14 = arith.constant 0 : i32
    %dma_start3A_15 = arith.constant 0 : i32
    %dma_start3A_16 = tpu.memref_slice %arg4[%dma_start3A_14, %dma_start3A_15] : memref<120x1024xf32, #tpu.memory_space<vmem>> -> memref<120x1024xf32, #tpu.memory_space<vmem>>
    tpu.enqueue_dma source(%dma_start3A_16 : memref<120x1024xf32, #tpu.memory_space<vmem>>) target(%dma_start3A_13 : memref<120x1024xf32, #tpu.memory_space<hbm>>) target_semaphore(%arg5 : memref<!tpu.dma_semaphore, #tpu.memory_space<semaphore_mem>>)
    %dma_start3A_17 = arith.constant 1 : i32
    %dma_start3A_18 = arith.constant 0 : i32
    %dma_start3A_19 = arith.constant 0 : i32
    %dma_start3A_20 = tpu.memref_slice %arg4[%dma_start3A_18, %dma_start3A_19] : memref<120x1024xf32, #tpu.memory_space<vmem>> -> memref<120x1024xf32, #tpu.memory_space<vmem>>
    %dma_start3A_21 = arith.constant 0 : i32
    %dma_start3A_22 = tpu.memref_slice %arg3[%dma_start3A_17, %add3A_4, %dma_start3A_21] : memref<4x8192x1024xf32, #tpu.memory_space<hbm>> -> memref<1x120x1024xf32, #tpu.memory_space<hbm>>
    %dma_start3A_23 = tpu.memref_squeeze %dma_start3A_22 : memref<1x120x1024xf32, #tpu.memory_space<hbm>> -> memref<120x1024xf32, #tpu.memory_space<hbm>>
    %dma_start3A_24 = arith.constant 0 : i32
    %dma_start3A_25 = tpu.memref_slice %arg3[%dma_start3A_17, %add3A_4, %dma_start3A_24] : memref<4x8192x1024xf32, #tpu.memory_space<hbm>> -> memref<1x120x1024xf32, #tpu.memory_space<hbm>>
    %dma_start3A_26 = tpu.memref_squeeze %dma_start3A_25 : memref<1x120x1024xf32, #tpu.memory_space<hbm>> -> memref<120x1024xf32, #tpu.memory_space<hbm>>
    %dma_start3A_27 = arith.constant 0 : i32
    %dma_start3A_28 = arith.constant 0 : i32
    %dma_start3A_29 = tpu.memref_slice %arg4[%dma_start3A_27, %dma_start3A_28] : memref<120x1024xf32, #tpu.memory_space<vmem>> -> memref<120x1024xf32, #tpu.memory_space<vmem>>
    tpu.enqueue_dma source(%dma_start3A_29 : memref<120x1024xf32, #tpu.memory_space<vmem>>) target(%dma_start3A_26 : memref<120x1024xf32, #tpu.memory_space<hbm>>) target_semaphore(%arg5 : memref<!tpu.dma_semaphore, #tpu.memory_space<semaphore_mem>>)
    %dma_start3A_30 = arith.constant 2 : i32
    %dma_start3A_31 = arith.constant 0 : i32
    %dma_start3A_32 = arith.constant 0 : i32
    %dma_start3A_33 = tpu.memref_slice %arg4[%dma_start3A_31, %dma_start3A_32] : memref<120x1024xf32, #tpu.memory_space<vmem>> -> memref<120x1024xf32, #tpu.memory_space<vmem>>
    %dma_start3A_34 = arith.constant 0 : i32
    %dma_start3A_35 = tpu.memref_slice %arg3[%dma_start3A_30, %add3A_4, %dma_start3A_34] : memref<4x8192x1024xf32, #tpu.memory_space<hbm>> -> memref<1x120x1024xf32, #tpu.memory_space<hbm>>
    %dma_start3A_36 = tpu.memref_squeeze %dma_start3A_35 : memref<1x120x1024xf32, #tpu.memory_space<hbm>> -> memref<120x1024xf32, #tpu.memory_space<hbm>>
    %dma_start3A_37 = arith.constant 0 : i32
    %dma_start3A_38 = tpu.memref_slice %arg3[%dma_start3A_30, %add3A_4, %dma_start3A_37] : memref<4x8192x1024xf32, #tpu.memory_space<hbm>> -> memref<1x120x1024xf32, #tpu.memory_space<hbm>>
    %dma_start3A_39 = tpu.memref_squeeze %dma_start3A_38 : memref<1x120x1024xf32, #tpu.memory_space<hbm>> -> memref<120x1024xf32, #tpu.memory_space<hbm>>
    %dma_start3A_40 = arith.constant 0 : i32
    %dma_start3A_41 = arith.constant 0 : i32
    %dma_start3A_42 = tpu.memref_slice %arg4[%dma_start3A_40, %dma_start3A_41] : memref<120x1024xf32, #tpu.memory_space<vmem>> -> memref<120x1024xf32, #tpu.memory_space<vmem>>
    tpu.enqueue_dma source(%dma_start3A_42 : memref<120x1024xf32, #tpu.memory_space<vmem>>) target(%dma_start3A_39 : memref<120x1024xf32, #tpu.memory_space<hbm>>) target_semaphore(%arg5 : memref<!tpu.dma_semaphore, #tpu.memory_space<semaphore_mem>>)
    %dma_start3A_43 = arith.constant 3 : i32
    %dma_start3A_44 = arith.constant 0 : i32
    %dma_start3A_45 = arith.constant 0 : i32
    %dma_start3A_46 = tpu.memref_slice %arg4[%dma_start3A_44, %dma_start3A_45] : memref<120x1024xf32, #tpu.memory_space<vmem>> -> memref<120x1024xf32, #tpu.memory_space<vmem>>
    %dma_start3A_47 = arith.constant 0 : i32
    %dma_start3A_48 = tpu.memref_slice %arg3[%dma_start3A_43, %add3A_4, %dma_start3A_47] : memref<4x8192x1024xf32, #tpu.memory_space<hbm>> -> memref<1x120x1024xf32, #tpu.memory_space<hbm>>
    %dma_start3A_49 = tpu.memref_squeeze %dma_start3A_48 : memref<1x120x1024xf32, #tpu.memory_space<hbm>> -> memref<120x1024xf32, #tpu.memory_space<hbm>>
    %dma_start3A_50 = arith.constant 0 : i32
    %dma_start3A_51 = tpu.memref_slice %arg3[%dma_start3A_43, %add3A_4, %dma_start3A_50] : memref<4x8192x1024xf32, #tpu.memory_space<hbm>> -> memref<1x120x1024xf32, #tpu.memory_space<hbm>>
    %dma_start3A_52 = tpu.memref_squeeze %dma_start3A_51 : memref<1x120x1024xf32, #tpu.memory_space<hbm>> -> memref<120x1024xf32, #tpu.memory_space<hbm>>
    %dma_start3A_53 = arith.constant 0 : i32
    %dma_start3A_54 = arith.constant 0 : i32
    %dma_start3A_55 = tpu.memref_slice %arg4[%dma_start3A_53, %dma_start3A_54] : memref<120x1024xf32, #tpu.memory_space<vmem>> -> memref<120x1024xf32, #tpu.memory_space<vmem>>
    tpu.enqueue_dma source(%dma_start3A_55 : memref<120x1024xf32, #tpu.memory_space<vmem>>) target(%dma_start3A_52 : memref<120x1024xf32, #tpu.memory_space<hbm>>) target_semaphore(%arg5 : memref<!tpu.dma_semaphore, #tpu.memory_space<semaphore_mem>>)
    %dma_wait3A = arith.constant 0 : i32
    %dma_wait3A_56 = arith.constant 0 : i32
    %dma_wait3A_57 = arith.constant 0 : i32
    %dma_wait3A_58 = tpu.memref_slice %arg4[%dma_wait3A_56, %dma_wait3A_57] : memref<120x1024xf32, #tpu.memory_space<vmem>> -> memref<120x1024xf32, #tpu.memory_space<vmem>>
    %dma_wait3A_59 = arith.constant 0 : i32
    %dma_wait3A_60 = tpu.memref_slice %arg3[%dma_wait3A, %add3A_4, %dma_wait3A_59] : memref<4x8192x1024xf32, #tpu.memory_space<hbm>> -> memref<1x120x1024xf32, #tpu.memory_space<hbm>>
    %dma_wait3A_61 = tpu.memref_squeeze %dma_wait3A_60 : memref<1x120x1024xf32, #tpu.memory_space<hbm>> -> memref<120x1024xf32, #tpu.memory_space<hbm>>
    %dma_wait3A_62 = arith.constant 0 : i32
    %dma_wait3A_63 = tpu.memref_slice %arg3[%dma_wait3A, %add3A_4, %dma_wait3A_62] : memref<4x8192x1024xf32, #tpu.memory_space<hbm>> -> memref<1x120x1024xf32, #tpu.memory_space<hbm>>
    %dma_wait3A_64 = tpu.memref_squeeze %dma_wait3A_63 : memref<1x120x1024xf32, #tpu.memory_space<hbm>> -> memref<120x1024xf32, #tpu.memory_space<hbm>>
    %dma_wait3A_65 = arith.constant 0 : i32
    %dma_wait3A_66 = arith.constant 0 : i32
    %dma_wait3A_67 = tpu.memref_slice %arg4[%dma_wait3A_65, %dma_wait3A_66] : memref<120x1024xf32, #tpu.memory_space<vmem>> -> memref<120x1024xf32, #tpu.memory_space<vmem>>
    tpu.wait_dma2 semaphore(%arg5 : memref<!tpu.dma_semaphore, #tpu.memory_space<semaphore_mem>>) src(%dma_wait3A_67 : memref<120x1024xf32, #tpu.memory_space<vmem>>) dst(%dma_wait3A_64 : memref<120x1024xf32, #tpu.memory_space<hbm>>)
    %dma_wait3A_68 = arith.constant 1 : i32
    %dma_wait3A_69 = arith.constant 0 : i32
    %dma_wait3A_70 = arith.constant 0 : i32
    %dma_wait3A_71 = tpu.memref_slice %arg4[%dma_wait3A_69, %dma_wait3A_70] : memref<120x1024xf32, #tpu.memory_space<vmem>> -> memref<120x1024xf32, #tpu.memory_space<vmem>>
    %dma_wait3A_72 = arith.constant 0 : i32
    %dma_wait3A_73 = tpu.memref_slice %arg3[%dma_wait3A_68, %add3A_4, %dma_wait3A_72] : memref<4x8192x1024xf32, #tpu.memory_space<hbm>> -> memref<1x120x1024xf32, #tpu.memory_space<hbm>>
    %dma_wait3A_74 = tpu.memref_squeeze %dma_wait3A_73 : memref<1x120x1024xf32, #tpu.memory_space<hbm>> -> memref<120x1024xf32, #tpu.memory_space<hbm>>
    %dma_wait3A_75 = arith.constant 0 : i32
    %dma_wait3A_76 = tpu.memref_slice %arg3[%dma_wait3A_68, %add3A_4, %dma_wait3A_75] : memref<4x8192x1024xf32, #tpu.memory_space<hbm>> -> memref<1x120x1024xf32, #tpu.memory_space<hbm>>
    %dma_wait3A_77 = tpu.memref_squeeze %dma_wait3A_76 : memref<1x120x1024xf32, #tpu.memory_space<hbm>> -> memref<120x1024xf32, #tpu.memory_space<hbm>>
    %dma_wait3A_78 = arith.constant 0 : i32
    %dma_wait3A_79 = arith.constant 0 : i32
    %dma_wait3A_80 = tpu.memref_slice %arg4[%dma_wait3A_78, %dma_wait3A_79] : memref<120x1024xf32, #tpu.memory_space<vmem>> -> memref<120x1024xf32, #tpu.memory_space<vmem>>
    tpu.wait_dma2 semaphore(%arg5 : memref<!tpu.dma_semaphore, #tpu.memory_space<semaphore_mem>>) src(%dma_wait3A_80 : memref<120x1024xf32, #tpu.memory_space<vmem>>) dst(%dma_wait3A_77 : memref<120x1024xf32, #tpu.memory_space<hbm>>)
    %dma_wait3A_81 = arith.constant 2 : i32
    %dma_wait3A_82 = arith.constant 0 : i32
    %dma_wait3A_83 = arith.constant 0 : i32
    %dma_wait3A_84 = tpu.memref_slice %arg4[%dma_wait3A_82, %dma_wait3A_83] : memref<120x1024xf32, #tpu.memory_space<vmem>> -> memref<120x1024xf32, #tpu.memory_space<vmem>>
    %dma_wait3A_85 = arith.constant 0 : i32
    %dma_wait3A_86 = tpu.memref_slice %arg3[%dma_wait3A_81, %add3A_4, %dma_wait3A_85] : memref<4x8192x1024xf32, #tpu.memory_space<hbm>> -> memref<1x120x1024xf32, #tpu.memory_space<hbm>>
    %dma_wait3A_87 = tpu.memref_squeeze %dma_wait3A_86 : memref<1x120x1024xf32, #tpu.memory_space<hbm>> -> memref<120x1024xf32, #tpu.memory_space<hbm>>
    %dma_wait3A_88 = arith.constant 0 : i32
    %dma_wait3A_89 = tpu.memref_slice %arg3[%dma_wait3A_81, %add3A_4, %dma_wait3A_88] : memref<4x8192x1024xf32, #tpu.memory_space<hbm>> -> memref<1x120x1024xf32, #tpu.memory_space<hbm>>
    %dma_wait3A_90 = tpu.memref_squeeze %dma_wait3A_89 : memref<1x120x1024xf32, #tpu.memory_space<hbm>> -> memref<120x1024xf32, #tpu.memory_space<hbm>>
    %dma_wait3A_91 = arith.constant 0 : i32
    %dma_wait3A_92 = arith.constant 0 : i32
    %dma_wait3A_93 = tpu.memref_slice %arg4[%dma_wait3A_91, %dma_wait3A_92] : memref<120x1024xf32, #tpu.memory_space<vmem>> -> memref<120x1024xf32, #tpu.memory_space<vmem>>
    tpu.wait_dma2 semaphore(%arg5 : memref<!tpu.dma_semaphore, #tpu.memory_space<semaphore_mem>>) src(%dma_wait3A_93 : memref<120x1024xf32, #tpu.memory_space<vmem>>) dst(%dma_wait3A_90 : memref<120x1024xf32, #tpu.memory_space<hbm>>)
    %dma_wait3A_94 = arith.constant 3 : i32
    %dma_wait3A_95 = arith.constant 0 : i32
    %dma_wait3A_96 = arith.constant 0 : i32
    %dma_wait3A_97 = tpu.memref_slice %arg4[%dma_wait3A_95, %dma_wait3A_96] : memref<120x1024xf32, #tpu.memory_space<vmem>> -> memref<120x1024xf32, #tpu.memory_space<vmem>>
    %dma_wait3A_98 = arith.constant 0 : i32
    %dma_wait3A_99 = tpu.memref_slice %arg3[%dma_wait3A_94, %add3A_4, %dma_wait3A_98] : memref<4x8192x1024xf32, #tpu.memory_space<hbm>> -> memref<1x120x1024xf32, #tpu.memory_space<hbm>>
    %dma_wait3A_100 = tpu.memref_squeeze %dma_wait3A_99 : memref<1x120x1024xf32, #tpu.memory_space<hbm>> -> memref<120x1024xf32, #tpu.memory_space<hbm>>
    %dma_wait3A_101 = arith.constant 0 : i32
    %dma_wait3A_102 = tpu.memref_slice %arg3[%dma_wait3A_94, %add3A_4, %dma_wait3A_101] : memref<4x8192x1024xf32, #tpu.memory_space<hbm>> -> memref<1x120x1024xf32, #tpu.memory_space<hbm>>
    %dma_wait3A_103 = tpu.memref_squeeze %dma_wait3A_102 : memref<1x120x1024xf32, #tpu.memory_space<hbm>> -> memref<120x1024xf32, #tpu.memory_space<hbm>>
    %dma_wait3A_104 = arith.constant 0 : i32
    %dma_wait3A_105 = arith.constant 0 : i32
    %dma_wait3A_106 = tpu.memref_slice %arg4[%dma_wait3A_104, %dma_wait3A_105] : memref<120x1024xf32, #tpu.memory_space<vmem>> -> memref<120x1024xf32, #tpu.memory_space<vmem>>
    tpu.wait_dma2 semaphore(%arg5 : memref<!tpu.dma_semaphore, #tpu.memory_space<semaphore_mem>>) src(%dma_wait3A_106 : memref<120x1024xf32, #tpu.memory_space<vmem>>) dst(%dma_wait3A_103 : memref<120x1024xf32, #tpu.memory_space<hbm>>)
    %add3A_107 = arith.constant 120 : i32
    %add3A_108 = arith.addi %mul3A_2, %add3A_107 : i32
    "tpu.region"() ({
      %run_scoped3A = tpu.sem_alloc : memref<!tpu.dma_semaphore, #tpu.memory_space<semaphore_mem>>
      %dma_start3A_319 = arith.constant 0 : i32
      %dma_start3A_320 = arith.constant 0 : i32
      %dma_start3A_321 = tpu.memref_slice %arg4[%dma_start3A_319, %dma_start3A_320] : memref<120x1024xf32, #tpu.memory_space<vmem>> -> memref<120x1024xf32, #tpu.memory_space<vmem>>
      %dma_start3A_322 = arith.constant 0 : i32
      %dma_start3A_323 = tpu.memref_slice %arg2[%add3A_108, %dma_start3A_322] : memref<8192x1024xf32, #tpu.memory_space<hbm>> -> memref<120x1024xf32, #tpu.memory_space<hbm>>
      %dma_start3A_324 = arith.constant 0 : i32
      %dma_start3A_325 = arith.constant 0 : i32
      %dma_start3A_326 = tpu.memref_slice %arg4[%dma_start3A_324, %dma_start3A_325] : memref<120x1024xf32, #tpu.memory_space<vmem>> -> memref<120x1024xf32, #tpu.memory_space<vmem>>
      %dma_start3A_327 = arith.constant 0 : i32
      %dma_start3A_328 = tpu.memref_slice %arg2[%add3A_108, %dma_start3A_327] : memref<8192x1024xf32, #tpu.memory_space<hbm>> -> memref<120x1024xf32, #tpu.memory_space<hbm>>
      tpu.enqueue_dma source(%dma_start3A_328 : memref<120x1024xf32, #tpu.memory_space<hbm>>) target(%dma_start3A_326 : memref<120x1024xf32, #tpu.memory_space<vmem>>) target_semaphore(%run_scoped3A : memref<!tpu.dma_semaphore, #tpu.memory_space<semaphore_mem>>)
      %dma_wait3A_329 = arith.constant 0 : i32
      %dma_wait3A_330 = arith.constant 0 : i32
      %dma_wait3A_331 = tpu.memref_slice %arg4[%dma_wait3A_329, %dma_wait3A_330] : memref<120x1024xf32, #tpu.memory_space<vmem>> -> memref<120x1024xf32, #tpu.memory_space<vmem>>
      %dma_wait3A_332 = arith.constant 0 : i32
      %dma_wait3A_333 = tpu.memref_slice %arg2[%add3A_108, %dma_wait3A_332] : memref<8192x1024xf32, #tpu.memory_space<hbm>> -> memref<120x1024xf32, #tpu.memory_space<hbm>>
      %dma_wait3A_334 = arith.constant 0 : i32
      %dma_wait3A_335 = arith.constant 0 : i32
      %dma_wait3A_336 = tpu.memref_slice %arg4[%dma_wait3A_334, %dma_wait3A_335] : memref<120x1024xf32, #tpu.memory_space<vmem>> -> memref<120x1024xf32, #tpu.memory_space<vmem>>
      %dma_wait3A_337 = arith.constant 0 : i32
      %dma_wait3A_338 = tpu.memref_slice %arg2[%add3A_108, %dma_wait3A_337] : memref<8192x1024xf32, #tpu.memory_space<hbm>> -> memref<120x1024xf32, #tpu.memory_space<hbm>>
      tpu.wait_dma2 semaphore(%run_scoped3A : memref<!tpu.dma_semaphore, #tpu.memory_space<semaphore_mem>>) src(%dma_wait3A_338 : memref<120x1024xf32, #tpu.memory_space<hbm>>) dst(%dma_wait3A_336 : memref<120x1024xf32, #tpu.memory_space<vmem>>)
      tpu.yield
    }) : () -> ()
    %dma_start3A_109 = arith.constant 0 : i32
    %dma_start3A_110 = arith.constant 0 : i32
    %dma_start3A_111 = arith.constant 0 : i32
    %dma_start3A_112 = tpu.memref_slice %arg4[%dma_start3A_110, %dma_start3A_111] : memref<120x1024xf32, #tpu.memory_space<vmem>> -> memref<120x1024xf32, #tpu.memory_space<vmem>>
    %dma_start3A_113 = arith.constant 0 : i32
    %dma_start3A_114 = tpu.memref_slice %arg3[%dma_start3A_109, %add3A_108, %dma_start3A_113] : memref<4x8192x1024xf32, #tpu.memory_space<hbm>> -> memref<1x120x1024xf32, #tpu.memory_space<hbm>>
    %dma_start3A_115 = tpu.memref_squeeze %dma_start3A_114 : memref<1x120x1024xf32, #tpu.memory_space<hbm>> -> memref<120x1024xf32, #tpu.memory_space<hbm>>
    %dma_start3A_116 = arith.constant 0 : i32
    %dma_start3A_117 = tpu.memref_slice %arg3[%dma_start3A_109, %add3A_108, %dma_start3A_116] : memref<4x8192x1024xf32, #tpu.memory_space<hbm>> -> memref<1x120x1024xf32, #tpu.memory_space<hbm>>
    %dma_start3A_118 = tpu.memref_squeeze %dma_start3A_117 : memref<1x120x1024xf32, #tpu.memory_space<hbm>> -> memref<120x1024xf32, #tpu.memory_space<hbm>>
    %dma_start3A_119 = arith.constant 0 : i32
    %dma_start3A_120 = arith.constant 0 : i32
    %dma_start3A_121 = tpu.memref_slice %arg4[%dma_start3A_119, %dma_start3A_120] : memref<120x1024xf32, #tpu.memory_space<vmem>> -> memref<120x1024xf32, #tpu.memory_space<vmem>>
    tpu.enqueue_dma source(%dma_start3A_121 : memref<120x1024xf32, #tpu.memory_space<vmem>>) target(%dma_start3A_118 : memref<120x1024xf32, #tpu.memory_space<hbm>>) target_semaphore(%arg5 : memref<!tpu.dma_semaphore, #tpu.memory_space<semaphore_mem>>)
    %dma_start3A_122 = arith.constant 1 : i32
    %dma_start3A_123 = arith.constant 0 : i32
    %dma_start3A_124 = arith.constant 0 : i32
    %dma_start3A_125 = tpu.memref_slice %arg4[%dma_start3A_123, %dma_start3A_124] : memref<120x1024xf32, #tpu.memory_space<vmem>> -> memref<120x1024xf32, #tpu.memory_space<vmem>>
    %dma_start3A_126 = arith.constant 0 : i32
    %dma_start3A_127 = tpu.memref_slice %arg3[%dma_start3A_122, %add3A_108, %dma_start3A_126] : memref<4x8192x1024xf32, #tpu.memory_space<hbm>> -> memref<1x120x1024xf32, #tpu.memory_space<hbm>>
    %dma_start3A_128 = tpu.memref_squeeze %dma_start3A_127 : memref<1x120x1024xf32, #tpu.memory_space<hbm>> -> memref<120x1024xf32, #tpu.memory_space<hbm>>
    %dma_start3A_129 = arith.constant 0 : i32
    %dma_start3A_130 = tpu.memref_slice %arg3[%dma_start3A_122, %add3A_108, %dma_start3A_129] : memref<4x8192x1024xf32, #tpu.memory_space<hbm>> -> memref<1x120x1024xf32, #tpu.memory_space<hbm>>
    %dma_start3A_131 = tpu.memref_squeeze %dma_start3A_130 : memref<1x120x1024xf32, #tpu.memory_space<hbm>> -> memref<120x1024xf32, #tpu.memory_space<hbm>>
    %dma_start3A_132 = arith.constant 0 : i32
    %dma_start3A_133 = arith.constant 0 : i32
    %dma_start3A_134 = tpu.memref_slice %arg4[%dma_start3A_132, %dma_start3A_133] : memref<120x1024xf32, #tpu.memory_space<vmem>> -> memref<120x1024xf32, #tpu.memory_space<vmem>>
    tpu.enqueue_dma source(%dma_start3A_134 : memref<120x1024xf32, #tpu.memory_space<vmem>>) target(%dma_start3A_131 : memref<120x1024xf32, #tpu.memory_space<hbm>>) target_semaphore(%arg5 : memref<!tpu.dma_semaphore, #tpu.memory_space<semaphore_mem>>)
    %dma_start3A_135 = arith.constant 2 : i32
    %dma_start3A_136 = arith.constant 0 : i32
    %dma_start3A_137 = arith.constant 0 : i32
    %dma_start3A_138 = tpu.memref_slice %arg4[%dma_start3A_136, %dma_start3A_137] : memref<120x1024xf32, #tpu.memory_space<vmem>> -> memref<120x1024xf32, #tpu.memory_space<vmem>>
    %dma_start3A_139 = arith.constant 0 : i32
    %dma_start3A_140 = tpu.memref_slice %arg3[%dma_start3A_135, %add3A_108, %dma_start3A_139] : memref<4x8192x1024xf32, #tpu.memory_space<hbm>> -> memref<1x120x1024xf32, #tpu.memory_space<hbm>>
    %dma_start3A_141 = tpu.memref_squeeze %dma_start3A_140 : memref<1x120x1024xf32, #tpu.memory_space<hbm>> -> memref<120x1024xf32, #tpu.memory_space<hbm>>
    %dma_start3A_142 = arith.constant 0 : i32
    %dma_start3A_143 = tpu.memref_slice %arg3[%dma_start3A_135, %add3A_108, %dma_start3A_142] : memref<4x8192x1024xf32, #tpu.memory_space<hbm>> -> memref<1x120x1024xf32, #tpu.memory_space<hbm>>
    %dma_start3A_144 = tpu.memref_squeeze %dma_start3A_143 : memref<1x120x1024xf32, #tpu.memory_space<hbm>> -> memref<120x1024xf32, #tpu.memory_space<hbm>>
    %dma_start3A_145 = arith.constant 0 : i32
    %dma_start3A_146 = arith.constant 0 : i32
    %dma_start3A_147 = tpu.memref_slice %arg4[%dma_start3A_145, %dma_start3A_146] : memref<120x1024xf32, #tpu.memory_space<vmem>> -> memref<120x1024xf32, #tpu.memory_space<vmem>>
    tpu.enqueue_dma source(%dma_start3A_147 : memref<120x1024xf32, #tpu.memory_space<vmem>>) target(%dma_start3A_144 : memref<120x1024xf32, #tpu.memory_space<hbm>>) target_semaphore(%arg5 : memref<!tpu.dma_semaphore, #tpu.memory_space<semaphore_mem>>)
    %dma_start3A_148 = arith.constant 3 : i32
    %dma_start3A_149 = arith.constant 0 : i32
    %dma_start3A_150 = arith.constant 0 : i32
    %dma_start3A_151 = tpu.memref_slice %arg4[%dma_start3A_149, %dma_start3A_150] : memref<120x1024xf32, #tpu.memory_space<vmem>> -> memref<120x1024xf32, #tpu.memory_space<vmem>>
    %dma_start3A_152 = arith.constant 0 : i32
    %dma_start3A_153 = tpu.memref_slice %arg3[%dma_start3A_148, %add3A_108, %dma_start3A_152] : memref<4x8192x1024xf32, #tpu.memory_space<hbm>> -> memref<1x120x1024xf32, #tpu.memory_space<hbm>>
    %dma_start3A_154 = tpu.memref_squeeze %dma_start3A_153 : memref<1x120x1024xf32, #tpu.memory_space<hbm>> -> memref<120x1024xf32, #tpu.memory_space<hbm>>
    %dma_start3A_155 = arith.constant 0 : i32
    %dma_start3A_156 = tpu.memref_slice %arg3[%dma_start3A_148, %add3A_108, %dma_start3A_155] : memref<4x8192x1024xf32, #tpu.memory_space<hbm>> -> memref<1x120x1024xf32, #tpu.memory_space<hbm>>
    %dma_start3A_157 = tpu.memref_squeeze %dma_start3A_156 : memref<1x120x1024xf32, #tpu.memory_space<hbm>> -> memref<120x1024xf32, #tpu.memory_space<hbm>>
    %dma_start3A_158 = arith.constant 0 : i32
    %dma_start3A_159 = arith.constant 0 : i32
    %dma_start3A_160 = tpu.memref_slice %arg4[%dma_start3A_158, %dma_start3A_159] : memref<120x1024xf32, #tpu.memory_space<vmem>> -> memref<120x1024xf32, #tpu.memory_space<vmem>>
    tpu.enqueue_dma source(%dma_start3A_160 : memref<120x1024xf32, #tpu.memory_space<vmem>>) target(%dma_start3A_157 : memref<120x1024xf32, #tpu.memory_space<hbm>>) target_semaphore(%arg5 : memref<!tpu.dma_semaphore, #tpu.memory_space<semaphore_mem>>)
    %dma_wait3A_161 = arith.constant 0 : i32
    %dma_wait3A_162 = arith.constant 0 : i32
    %dma_wait3A_163 = arith.constant 0 : i32
    %dma_wait3A_164 = tpu.memref_slice %arg4[%dma_wait3A_162, %dma_wait3A_163] : memref<120x1024xf32, #tpu.memory_space<vmem>> -> memref<120x1024xf32, #tpu.memory_space<vmem>>
    %dma_wait3A_165 = arith.constant 0 : i32
    %dma_wait3A_166 = tpu.memref_slice %arg3[%dma_wait3A_161, %add3A_108, %dma_wait3A_165] : memref<4x8192x1024xf32, #tpu.memory_space<hbm>> -> memref<1x120x1024xf32, #tpu.memory_space<hbm>>
    %dma_wait3A_167 = tpu.memref_squeeze %dma_wait3A_166 : memref<1x120x1024xf32, #tpu.memory_space<hbm>> -> memref<120x1024xf32, #tpu.memory_space<hbm>>
    %dma_wait3A_168 = arith.constant 0 : i32
    %dma_wait3A_169 = tpu.memref_slice %arg3[%dma_wait3A_161, %add3A_108, %dma_wait3A_168] : memref<4x8192x1024xf32, #tpu.memory_space<hbm>> -> memref<1x120x1024xf32, #tpu.memory_space<hbm>>
    %dma_wait3A_170 = tpu.memref_squeeze %dma_wait3A_169 : memref<1x120x1024xf32, #tpu.memory_space<hbm>> -> memref<120x1024xf32, #tpu.memory_space<hbm>>
    %dma_wait3A_171 = arith.constant 0 : i32
    %dma_wait3A_172 = arith.constant 0 : i32
    %dma_wait3A_173 = tpu.memref_slice %arg4[%dma_wait3A_171, %dma_wait3A_172] : memref<120x1024xf32, #tpu.memory_space<vmem>> -> memref<120x1024xf32, #tpu.memory_space<vmem>>
    tpu.wait_dma2 semaphore(%arg5 : memref<!tpu.dma_semaphore, #tpu.memory_space<semaphore_mem>>) src(%dma_wait3A_173 : memref<120x1024xf32, #tpu.memory_space<vmem>>) dst(%dma_wait3A_170 : memref<120x1024xf32, #tpu.memory_space<hbm>>)
    %dma_wait3A_174 = arith.constant 1 : i32
    %dma_wait3A_175 = arith.constant 0 : i32
    %dma_wait3A_176 = arith.constant 0 : i32
    %dma_wait3A_177 = tpu.memref_slice %arg4[%dma_wait3A_175, %dma_wait3A_176] : memref<120x1024xf32, #tpu.memory_space<vmem>> -> memref<120x1024xf32, #tpu.memory_space<vmem>>
    %dma_wait3A_178 = arith.constant 0 : i32
    %dma_wait3A_179 = tpu.memref_slice %arg3[%dma_wait3A_174, %add3A_108, %dma_wait3A_178] : memref<4x8192x1024xf32, #tpu.memory_space<hbm>> -> memref<1x120x1024xf32, #tpu.memory_space<hbm>>
    %dma_wait3A_180 = tpu.memref_squeeze %dma_wait3A_179 : memref<1x120x1024xf32, #tpu.memory_space<hbm>> -> memref<120x1024xf32, #tpu.memory_space<hbm>>
    %dma_wait3A_181 = arith.constant 0 : i32
    %dma_wait3A_182 = tpu.memref_slice %arg3[%dma_wait3A_174, %add3A_108, %dma_wait3A_181] : memref<4x8192x1024xf32, #tpu.memory_space<hbm>> -> memref<1x120x1024xf32, #tpu.memory_space<hbm>>
    %dma_wait3A_183 = tpu.memref_squeeze %dma_wait3A_182 : memref<1x120x1024xf32, #tpu.memory_space<hbm>> -> memref<120x1024xf32, #tpu.memory_space<hbm>>
    %dma_wait3A_184 = arith.constant 0 : i32
    %dma_wait3A_185 = arith.constant 0 : i32
    %dma_wait3A_186 = tpu.memref_slice %arg4[%dma_wait3A_184, %dma_wait3A_185] : memref<120x1024xf32, #tpu.memory_space<vmem>> -> memref<120x1024xf32, #tpu.memory_space<vmem>>
    tpu.wait_dma2 semaphore(%arg5 : memref<!tpu.dma_semaphore, #tpu.memory_space<semaphore_mem>>) src(%dma_wait3A_186 : memref<120x1024xf32, #tpu.memory_space<vmem>>) dst(%dma_wait3A_183 : memref<120x1024xf32, #tpu.memory_space<hbm>>)
    %dma_wait3A_187 = arith.constant 2 : i32
    %dma_wait3A_188 = arith.constant 0 : i32
    %dma_wait3A_189 = arith.constant 0 : i32
    %dma_wait3A_190 = tpu.memref_slice %arg4[%dma_wait3A_188, %dma_wait3A_189] : memref<120x1024xf32, #tpu.memory_space<vmem>> -> memref<120x1024xf32, #tpu.memory_space<vmem>>
    %dma_wait3A_191 = arith.constant 0 : i32
    %dma_wait3A_192 = tpu.memref_slice %arg3[%dma_wait3A_187, %add3A_108, %dma_wait3A_191] : memref<4x8192x1024xf32, #tpu.memory_space<hbm>> -> memref<1x120x1024xf32, #tpu.memory_space<hbm>>
    %dma_wait3A_193 = tpu.memref_squeeze %dma_wait3A_192 : memref<1x120x1024xf32, #tpu.memory_space<hbm>> -> memref<120x1024xf32, #tpu.memory_space<hbm>>
    %dma_wait3A_194 = arith.constant 0 : i32
    %dma_wait3A_195 = tpu.memref_slice %arg3[%dma_wait3A_187, %add3A_108, %dma_wait3A_194] : memref<4x8192x1024xf32, #tpu.memory_space<hbm>> -> memref<1x120x1024xf32, #tpu.memory_space<hbm>>
    %dma_wait3A_196 = tpu.memref_squeeze %dma_wait3A_195 : memref<1x120x1024xf32, #tpu.memory_space<hbm>> -> memref<120x1024xf32, #tpu.memory_space<hbm>>
    %dma_wait3A_197 = arith.constant 0 : i32
    %dma_wait3A_198 = arith.constant 0 : i32
    %dma_wait3A_199 = tpu.memref_slice %arg4[%dma_wait3A_197, %dma_wait3A_198] : memref<120x1024xf32, #tpu.memory_space<vmem>> -> memref<120x1024xf32, #tpu.memory_space<vmem>>
    tpu.wait_dma2 semaphore(%arg5 : memref<!tpu.dma_semaphore, #tpu.memory_space<semaphore_mem>>) src(%dma_wait3A_199 : memref<120x1024xf32, #tpu.memory_space<vmem>>) dst(%dma_wait3A_196 : memref<120x1024xf32, #tpu.memory_space<hbm>>)
    %dma_wait3A_200 = arith.constant 3 : i32
    %dma_wait3A_201 = arith.constant 0 : i32
    %dma_wait3A_202 = arith.constant 0 : i32
    %dma_wait3A_203 = tpu.memref_slice %arg4[%dma_wait3A_201, %dma_wait3A_202] : memref<120x1024xf32, #tpu.memory_space<vmem>> -> memref<120x1024xf32, #tpu.memory_space<vmem>>
    %dma_wait3A_204 = arith.constant 0 : i32
    %dma_wait3A_205 = tpu.memref_slice %arg3[%dma_wait3A_200, %add3A_108, %dma_wait3A_204] : memref<4x8192x1024xf32, #tpu.memory_space<hbm>> -> memref<1x120x1024xf32, #tpu.memory_space<hbm>>
    %dma_wait3A_206 = tpu.memref_squeeze %dma_wait3A_205 : memref<1x120x1024xf32, #tpu.memory_space<hbm>> -> memref<120x1024xf32, #tpu.memory_space<hbm>>
    %dma_wait3A_207 = arith.constant 0 : i32
    %dma_wait3A_208 = tpu.memref_slice %arg3[%dma_wait3A_200, %add3A_108, %dma_wait3A_207] : memref<4x8192x1024xf32, #tpu.memory_space<hbm>> -> memref<1x120x1024xf32, #tpu.memory_space<hbm>>
    %dma_wait3A_209 = tpu.memref_squeeze %dma_wait3A_208 : memref<1x120x1024xf32, #tpu.memory_space<hbm>> -> memref<120x1024xf32, #tpu.memory_space<hbm>>
    %dma_wait3A_210 = arith.constant 0 : i32
    %dma_wait3A_211 = arith.constant 0 : i32
    %dma_wait3A_212 = tpu.memref_slice %arg4[%dma_wait3A_210, %dma_wait3A_211] : memref<120x1024xf32, #tpu.memory_space<vmem>> -> memref<120x1024xf32, #tpu.memory_space<vmem>>
    tpu.wait_dma2 semaphore(%arg5 : memref<!tpu.dma_semaphore, #tpu.memory_space<semaphore_mem>>) src(%dma_wait3A_212 : memref<120x1024xf32, #tpu.memory_space<vmem>>) dst(%dma_wait3A_209 : memref<120x1024xf32, #tpu.memory_space<hbm>>)
    %add3A_213 = arith.constant 240 : i32
    %add3A_214 = arith.addi %mul3A_2, %add3A_213 : i32
    "tpu.region"() ({
      %run_scoped3A = tpu.sem_alloc : memref<!tpu.dma_semaphore, #tpu.memory_space<semaphore_mem>>
      %dma_start3A_319 = arith.constant 0 : i32
      %dma_start3A_320 = arith.constant 0 : i32
      %dma_start3A_321 = tpu.memref_slice %arg4[%dma_start3A_319, %dma_start3A_320] : memref<120x1024xf32, #tpu.memory_space<vmem>> -> memref<16x1024xf32, #tpu.memory_space<vmem>>
      %dma_start3A_322 = arith.constant 0 : i32
      %dma_start3A_323 = tpu.memref_slice %arg2[%add3A_214, %dma_start3A_322] : memref<8192x1024xf32, #tpu.memory_space<hbm>> -> memref<16x1024xf32, #tpu.memory_space<hbm>>
      %dma_start3A_324 = arith.constant 0 : i32
      %dma_start3A_325 = arith.constant 0 : i32
      %dma_start3A_326 = tpu.memref_slice %arg4[%dma_start3A_324, %dma_start3A_325] : memref<120x1024xf32, #tpu.memory_space<vmem>> -> memref<16x1024xf32, #tpu.memory_space<vmem>>
      %dma_start3A_327 = arith.constant 0 : i32
      %dma_start3A_328 = tpu.memref_slice %arg2[%add3A_214, %dma_start3A_327] : memref<8192x1024xf32, #tpu.memory_space<hbm>> -> memref<16x1024xf32, #tpu.memory_space<hbm>>
      tpu.enqueue_dma source(%dma_start3A_328 : memref<16x1024xf32, #tpu.memory_space<hbm>>) target(%dma_start3A_326 : memref<16x1024xf32, #tpu.memory_space<vmem>>) target_semaphore(%run_scoped3A : memref<!tpu.dma_semaphore, #tpu.memory_space<semaphore_mem>>)
      %dma_wait3A_329 = arith.constant 0 : i32
      %dma_wait3A_330 = arith.constant 0 : i32
      %dma_wait3A_331 = tpu.memref_slice %arg4[%dma_wait3A_329, %dma_wait3A_330] : memref<120x1024xf32, #tpu.memory_space<vmem>> -> memref<16x1024xf32, #tpu.memory_space<vmem>>
      %dma_wait3A_332 = arith.constant 0 : i32
      %dma_wait3A_333 = tpu.memref_slice %arg2[%add3A_214, %dma_wait3A_332] : memref<8192x1024xf32, #tpu.memory_space<hbm>> -> memref<16x1024xf32, #tpu.memory_space<hbm>>
      %dma_wait3A_334 = arith.constant 0 : i32
      %dma_wait3A_335 = arith.constant 0 : i32
      %dma_wait3A_336 = tpu.memref_slice %arg4[%dma_wait3A_334, %dma_wait3A_335] : memref<120x1024xf32, #tpu.memory_space<vmem>> -> memref<16x1024xf32, #tpu.memory_space<vmem>>
      %dma_wait3A_337 = arith.constant 0 : i32
      %dma_wait3A_338 = tpu.memref_slice %arg2[%add3A_214, %dma_wait3A_337] : memref<8192x1024xf32, #tpu.memory_space<hbm>> -> memref<16x1024xf32, #tpu.memory_space<hbm>>
      tpu.wait_dma2 semaphore(%run_scoped3A : memref<!tpu.dma_semaphore, #tpu.memory_space<semaphore_mem>>) src(%dma_wait3A_338 : memref<16x1024xf32, #tpu.memory_space<hbm>>) dst(%dma_wait3A_336 : memref<16x1024xf32, #tpu.memory_space<vmem>>)
      tpu.yield
    }) : () -> ()
    %dma_start3A_215 = arith.constant 0 : i32
    %dma_start3A_216 = arith.constant 0 : i32
    %dma_start3A_217 = arith.constant 0 : i32
    %dma_start3A_218 = tpu.memref_slice %arg4[%dma_start3A_216, %dma_start3A_217] : memref<120x1024xf32, #tpu.memory_space<vmem>> -> memref<16x1024xf32, #tpu.memory_space<vmem>>
    %dma_start3A_219 = arith.constant 0 : i32
    %dma_start3A_220 = tpu.memref_slice %arg3[%dma_start3A_215, %add3A_214, %dma_start3A_219] : memref<4x8192x1024xf32, #tpu.memory_space<hbm>> -> memref<1x16x1024xf32, #tpu.memory_space<hbm>>
    %dma_start3A_221 = tpu.memref_squeeze %dma_start3A_220 : memref<1x16x1024xf32, #tpu.memory_space<hbm>> -> memref<16x1024xf32, #tpu.memory_space<hbm>>
    %dma_start3A_222 = arith.constant 0 : i32
    %dma_start3A_223 = tpu.memref_slice %arg3[%dma_start3A_215, %add3A_214, %dma_start3A_222] : memref<4x8192x1024xf32, #tpu.memory_space<hbm>> -> memref<1x16x1024xf32, #tpu.memory_space<hbm>>
    %dma_start3A_224 = tpu.memref_squeeze %dma_start3A_223 : memref<1x16x1024xf32, #tpu.memory_space<hbm>> -> memref<16x1024xf32, #tpu.memory_space<hbm>>
    %dma_start3A_225 = arith.constant 0 : i32
    %dma_start3A_226 = arith.constant 0 : i32
    %dma_start3A_227 = tpu.memref_slice %arg4[%dma_start3A_225, %dma_start3A_226] : memref<120x1024xf32, #tpu.memory_space<vmem>> -> memref<16x1024xf32, #tpu.memory_space<vmem>>
    tpu.enqueue_dma source(%dma_start3A_227 : memref<16x1024xf32, #tpu.memory_space<vmem>>) target(%dma_start3A_224 : memref<16x1024xf32, #tpu.memory_space<hbm>>) target_semaphore(%arg5 : memref<!tpu.dma_semaphore, #tpu.memory_space<semaphore_mem>>)
    %dma_start3A_228 = arith.constant 1 : i32
    %dma_start3A_229 = arith.constant 0 : i32
    %dma_start3A_230 = arith.constant 0 : i32
    %dma_start3A_231 = tpu.memref_slice %arg4[%dma_start3A_229, %dma_start3A_230] : memref<120x1024xf32, #tpu.memory_space<vmem>> -> memref<16x1024xf32, #tpu.memory_space<vmem>>
    %dma_start3A_232 = arith.constant 0 : i32
    %dma_start3A_233 = tpu.memref_slice %arg3[%dma_start3A_228, %add3A_214, %dma_start3A_232] : memref<4x8192x1024xf32, #tpu.memory_space<hbm>> -> memref<1x16x1024xf32, #tpu.memory_space<hbm>>
    %dma_start3A_234 = tpu.memref_squeeze %dma_start3A_233 : memref<1x16x1024xf32, #tpu.memory_space<hbm>> -> memref<16x1024xf32, #tpu.memory_space<hbm>>
    %dma_start3A_235 = arith.constant 0 : i32
    %dma_start3A_236 = tpu.memref_slice %arg3[%dma_start3A_228, %add3A_214, %dma_start3A_235] : memref<4x8192x1024xf32, #tpu.memory_space<hbm>> -> memref<1x16x1024xf32, #tpu.memory_space<hbm>>
    %dma_start3A_237 = tpu.memref_squeeze %dma_start3A_236 : memref<1x16x1024xf32, #tpu.memory_space<hbm>> -> memref<16x1024xf32, #tpu.memory_space<hbm>>
    %dma_start3A_238 = arith.constant 0 : i32
    %dma_start3A_239 = arith.constant 0 : i32
    %dma_start3A_240 = tpu.memref_slice %arg4[%dma_start3A_238, %dma_start3A_239] : memref<120x1024xf32, #tpu.memory_space<vmem>> -> memref<16x1024xf32, #tpu.memory_space<vmem>>
    tpu.enqueue_dma source(%dma_start3A_240 : memref<16x1024xf32, #tpu.memory_space<vmem>>) target(%dma_start3A_237 : memref<16x1024xf32, #tpu.memory_space<hbm>>) target_semaphore(%arg5 : memref<!tpu.dma_semaphore, #tpu.memory_space<semaphore_mem>>)
    %dma_start3A_241 = arith.constant 2 : i32
    %dma_start3A_242 = arith.constant 0 : i32
    %dma_start3A_243 = arith.constant 0 : i32
    %dma_start3A_244 = tpu.memref_slice %arg4[%dma_start3A_242, %dma_start3A_243] : memref<120x1024xf32, #tpu.memory_space<vmem>> -> memref<16x1024xf32, #tpu.memory_space<vmem>>
    %dma_start3A_245 = arith.constant 0 : i32
    %dma_start3A_246 = tpu.memref_slice %arg3[%dma_start3A_241, %add3A_214, %dma_start3A_245] : memref<4x8192x1024xf32, #tpu.memory_space<hbm>> -> memref<1x16x1024xf32, #tpu.memory_space<hbm>>
    %dma_start3A_247 = tpu.memref_squeeze %dma_start3A_246 : memref<1x16x1024xf32, #tpu.memory_space<hbm>> -> memref<16x1024xf32, #tpu.memory_space<hbm>>
    %dma_start3A_248 = arith.constant 0 : i32
    %dma_start3A_249 = tpu.memref_slice %arg3[%dma_start3A_241, %add3A_214, %dma_start3A_248] : memref<4x8192x1024xf32, #tpu.memory_space<hbm>> -> memref<1x16x1024xf32, #tpu.memory_space<hbm>>
    %dma_start3A_250 = tpu.memref_squeeze %dma_start3A_249 : memref<1x16x1024xf32, #tpu.memory_space<hbm>> -> memref<16x1024xf32, #tpu.memory_space<hbm>>
    %dma_start3A_251 = arith.constant 0 : i32
    %dma_start3A_252 = arith.constant 0 : i32
    %dma_start3A_253 = tpu.memref_slice %arg4[%dma_start3A_251, %dma_start3A_252] : memref<120x1024xf32, #tpu.memory_space<vmem>> -> memref<16x1024xf32, #tpu.memory_space<vmem>>
    tpu.enqueue_dma source(%dma_start3A_253 : memref<16x1024xf32, #tpu.memory_space<vmem>>) target(%dma_start3A_250 : memref<16x1024xf32, #tpu.memory_space<hbm>>) target_semaphore(%arg5 : memref<!tpu.dma_semaphore, #tpu.memory_space<semaphore_mem>>)
    %dma_start3A_254 = arith.constant 3 : i32
    %dma_start3A_255 = arith.constant 0 : i32
    %dma_start3A_256 = arith.constant 0 : i32
    %dma_start3A_257 = tpu.memref_slice %arg4[%dma_start3A_255, %dma_start3A_256] : memref<120x1024xf32, #tpu.memory_space<vmem>> -> memref<16x1024xf32, #tpu.memory_space<vmem>>
    %dma_start3A_258 = arith.constant 0 : i32
    %dma_start3A_259 = tpu.memref_slice %arg3[%dma_start3A_254, %add3A_214, %dma_start3A_258] : memref<4x8192x1024xf32, #tpu.memory_space<hbm>> -> memref<1x16x1024xf32, #tpu.memory_space<hbm>>
    %dma_start3A_260 = tpu.memref_squeeze %dma_start3A_259 : memref<1x16x1024xf32, #tpu.memory_space<hbm>> -> memref<16x1024xf32, #tpu.memory_space<hbm>>
    %dma_start3A_261 = arith.constant 0 : i32
    %dma_start3A_262 = tpu.memref_slice %arg3[%dma_start3A_254, %add3A_214, %dma_start3A_261] : memref<4x8192x1024xf32, #tpu.memory_space<hbm>> -> memref<1x16x1024xf32, #tpu.memory_space<hbm>>
    %dma_start3A_263 = tpu.memref_squeeze %dma_start3A_262 : memref<1x16x1024xf32, #tpu.memory_space<hbm>> -> memref<16x1024xf32, #tpu.memory_space<hbm>>
    %dma_start3A_264 = arith.constant 0 : i32
    %dma_start3A_265 = arith.constant 0 : i32
    %dma_start3A_266 = tpu.memref_slice %arg4[%dma_start3A_264, %dma_start3A_265] : memref<120x1024xf32, #tpu.memory_space<vmem>> -> memref<16x1024xf32, #tpu.memory_space<vmem>>
    tpu.enqueue_dma source(%dma_start3A_266 : memref<16x1024xf32, #tpu.memory_space<vmem>>) target(%dma_start3A_263 : memref<16x1024xf32, #tpu.memory_space<hbm>>) target_semaphore(%arg5 : memref<!tpu.dma_semaphore, #tpu.memory_space<semaphore_mem>>)
    %dma_wait3A_267 = arith.constant 0 : i32
    %dma_wait3A_268 = arith.constant 0 : i32
    %dma_wait3A_269 = arith.constant 0 : i32
    %dma_wait3A_270 = tpu.memref_slice %arg4[%dma_wait3A_268, %dma_wait3A_269] : memref<120x1024xf32, #tpu.memory_space<vmem>> -> memref<16x1024xf32, #tpu.memory_space<vmem>>
    %dma_wait3A_271 = arith.constant 0 : i32
    %dma_wait3A_272 = tpu.memref_slice %arg3[%dma_wait3A_267, %add3A_214, %dma_wait3A_271] : memref<4x8192x1024xf32, #tpu.memory_space<hbm>> -> memref<1x16x1024xf32, #tpu.memory_space<hbm>>
    %dma_wait3A_273 = tpu.memref_squeeze %dma_wait3A_272 : memref<1x16x1024xf32, #tpu.memory_space<hbm>> -> memref<16x1024xf32, #tpu.memory_space<hbm>>
    %dma_wait3A_274 = arith.constant 0 : i32
    %dma_wait3A_275 = tpu.memref_slice %arg3[%dma_wait3A_267, %add3A_214, %dma_wait3A_274] : memref<4x8192x1024xf32, #tpu.memory_space<hbm>> -> memref<1x16x1024xf32, #tpu.memory_space<hbm>>
    %dma_wait3A_276 = tpu.memref_squeeze %dma_wait3A_275 : memref<1x16x1024xf32, #tpu.memory_space<hbm>> -> memref<16x1024xf32, #tpu.memory_space<hbm>>
    %dma_wait3A_277 = arith.constant 0 : i32
    %dma_wait3A_278 = arith.constant 0 : i32
    %dma_wait3A_279 = tpu.memref_slice %arg4[%dma_wait3A_277, %dma_wait3A_278] : memref<120x1024xf32, #tpu.memory_space<vmem>> -> memref<16x1024xf32, #tpu.memory_space<vmem>>
    tpu.wait_dma2 semaphore(%arg5 : memref<!tpu.dma_semaphore, #tpu.memory_space<semaphore_mem>>) src(%dma_wait3A_279 : memref<16x1024xf32, #tpu.memory_space<vmem>>) dst(%dma_wait3A_276 : memref<16x1024xf32, #tpu.memory_space<hbm>>)
    %dma_wait3A_280 = arith.constant 1 : i32
    %dma_wait3A_281 = arith.constant 0 : i32
    %dma_wait3A_282 = arith.constant 0 : i32
    %dma_wait3A_283 = tpu.memref_slice %arg4[%dma_wait3A_281, %dma_wait3A_282] : memref<120x1024xf32, #tpu.memory_space<vmem>> -> memref<16x1024xf32, #tpu.memory_space<vmem>>
    %dma_wait3A_284 = arith.constant 0 : i32
    %dma_wait3A_285 = tpu.memref_slice %arg3[%dma_wait3A_280, %add3A_214, %dma_wait3A_284] : memref<4x8192x1024xf32, #tpu.memory_space<hbm>> -> memref<1x16x1024xf32, #tpu.memory_space<hbm>>
    %dma_wait3A_286 = tpu.memref_squeeze %dma_wait3A_285 : memref<1x16x1024xf32, #tpu.memory_space<hbm>> -> memref<16x1024xf32, #tpu.memory_space<hbm>>
    %dma_wait3A_287 = arith.constant 0 : i32
    %dma_wait3A_288 = tpu.memref_slice %arg3[%dma_wait3A_280, %add3A_214, %dma_wait3A_287] : memref<4x8192x1024xf32, #tpu.memory_space<hbm>> -> memref<1x16x1024xf32, #tpu.memory_space<hbm>>
    %dma_wait3A_289 = tpu.memref_squeeze %dma_wait3A_288 : memref<1x16x1024xf32, #tpu.memory_space<hbm>> -> memref<16x1024xf32, #tpu.memory_space<hbm>>
    %dma_wait3A_290 = arith.constant 0 : i32
    %dma_wait3A_291 = arith.constant 0 : i32
    %dma_wait3A_292 = tpu.memref_slice %arg4[%dma_wait3A_290, %dma_wait3A_291] : memref<120x1024xf32, #tpu.memory_space<vmem>> -> memref<16x1024xf32, #tpu.memory_space<vmem>>
    tpu.wait_dma2 semaphore(%arg5 : memref<!tpu.dma_semaphore, #tpu.memory_space<semaphore_mem>>) src(%dma_wait3A_292 : memref<16x1024xf32, #tpu.memory_space<vmem>>) dst(%dma_wait3A_289 : memref<16x1024xf32, #tpu.memory_space<hbm>>)
    %dma_wait3A_293 = arith.constant 2 : i32
    %dma_wait3A_294 = arith.constant 0 : i32
    %dma_wait3A_295 = arith.constant 0 : i32
    %dma_wait3A_296 = tpu.memref_slice %arg4[%dma_wait3A_294, %dma_wait3A_295] : memref<120x1024xf32, #tpu.memory_space<vmem>> -> memref<16x1024xf32, #tpu.memory_space<vmem>>
    %dma_wait3A_297 = arith.constant 0 : i32
    %dma_wait3A_298 = tpu.memref_slice %arg3[%dma_wait3A_293, %add3A_214, %dma_wait3A_297] : memref<4x8192x1024xf32, #tpu.memory_space<hbm>> -> memref<1x16x1024xf32, #tpu.memory_space<hbm>>
    %dma_wait3A_299 = tpu.memref_squeeze %dma_wait3A_298 : memref<1x16x1024xf32, #tpu.memory_space<hbm>> -> memref<16x1024xf32, #tpu.memory_space<hbm>>
    %dma_wait3A_300 = arith.constant 0 : i32
    %dma_wait3A_301 = tpu.memref_slice %arg3[%dma_wait3A_293, %add3A_214, %dma_wait3A_300] : memref<4x8192x1024xf32, #tpu.memory_space<hbm>> -> memref<1x16x1024xf32, #tpu.memory_space<hbm>>
    %dma_wait3A_302 = tpu.memref_squeeze %dma_wait3A_301 : memref<1x16x1024xf32, #tpu.memory_space<hbm>> -> memref<16x1024xf32, #tpu.memory_space<hbm>>
    %dma_wait3A_303 = arith.constant 0 : i32
    %dma_wait3A_304 = arith.constant 0 : i32
    %dma_wait3A_305 = tpu.memref_slice %arg4[%dma_wait3A_303, %dma_wait3A_304] : memref<120x1024xf32, #tpu.memory_space<vmem>> -> memref<16x1024xf32, #tpu.memory_space<vmem>>
    tpu.wait_dma2 semaphore(%arg5 : memref<!tpu.dma_semaphore, #tpu.memory_space<semaphore_mem>>) src(%dma_wait3A_305 : memref<16x1024xf32, #tpu.memory_space<vmem>>) dst(%dma_wait3A_302 : memref<16x1024xf32, #tpu.memory_space<hbm>>)
    %dma_wait3A_306 = arith.constant 3 : i32
    %dma_wait3A_307 = arith.constant 0 : i32
    %dma_wait3A_308 = arith.constant 0 : i32
    %dma_wait3A_309 = tpu.memref_slice %arg4[%dma_wait3A_307, %dma_wait3A_308] : memref<120x1024xf32, #tpu.memory_space<vmem>> -> memref<16x1024xf32, #tpu.memory_space<vmem>>
    %dma_wait3A_310 = arith.constant 0 : i32
    %dma_wait3A_311 = tpu.memref_slice %arg3[%dma_wait3A_306, %add3A_214, %dma_wait3A_310] : memref<4x8192x1024xf32, #tpu.memory_space<hbm>> -> memref<1x16x1024xf32, #tpu.memory_space<hbm>>
    %dma_wait3A_312 = tpu.memref_squeeze %dma_wait3A_311 : memref<1x16x1024xf32, #tpu.memory_space<hbm>> -> memref<16x1024xf32, #tpu.memory_space<hbm>>
    %dma_wait3A_313 = arith.constant 0 : i32
    %dma_wait3A_314 = tpu.memref_slice %arg3[%dma_wait3A_306, %add3A_214, %dma_wait3A_313] : memref<4x8192x1024xf32, #tpu.memory_space<hbm>> -> memref<1x16x1024xf32, #tpu.memory_space<hbm>>
    %dma_wait3A_315 = tpu.memref_squeeze %dma_wait3A_314 : memref<1x16x1024xf32, #tpu.memory_space<hbm>> -> memref<16x1024xf32, #tpu.memory_space<hbm>>
    %dma_wait3A_316 = arith.constant 0 : i32
    %dma_wait3A_317 = arith.constant 0 : i32
    %dma_wait3A_318 = tpu.memref_slice %arg4[%dma_wait3A_316, %dma_wait3A_317] : memref<120x1024xf32, #tpu.memory_space<vmem>> -> memref<16x1024xf32, #tpu.memory_space<vmem>>
    tpu.wait_dma2 semaphore(%arg5 : memref<!tpu.dma_semaphore, #tpu.memory_space<semaphore_mem>>) src(%dma_wait3A_318 : memref<16x1024xf32, #tpu.memory_space<vmem>>) dst(%dma_wait3A_315 : memref<16x1024xf32, #tpu.memory_space<hbm>>)
    return
  }
}

</mosaic_0001>

<sc_bundles>
// kernel: kernel.3.cloned.1.call-start
scs
__scs_entry_jumppad:
0x0: {  	(pc) =	sbr.rel $0x88, $3  }
0x1: {  	(tag) =	ssettag $0x0;
	lr =	simm.s32 $0x1  }
0x2: {  	[smem:$0x3FA0] =	sst lr;
	_ =	strace $0xD0000000  }
0x3: {  	_ = 	snop  }
0x4: {  	_ = 	snop  }
0x5: {  	_ = 	snop  }
0x6: {  	_ = 	snop  }
0x7: {  	_ = 	snop  }
__scs_overlays_trampoline_lowered:
0x8: {  	[smem:$0x3FAF] =	sst s0  }
0x9: {  	[smem:$0x3FB0] =	sst s1  }
0xa: {  	[smem:$0x3FB1] =	sst s2  }
0xb: {  	[smem:$0x3FB2] =	sst s3  }
0xc: {  	[smem:$0x3FB3] =	sst s4  }
0xd: {  	[smem:$0x3FB4] =	sst s5  }
0xe: {  	[smem:$0x3FB5] =	sst s6  }
0xf: {  	[smem:$0x3FB6] =	sst s7  }
0x10: {  	[smem:$0x3FB7] =	sst s8  }
0x11: {  	[smem:$0x3FB8] =	sst s9;
	s0 =	simm.s32 @!p0 $0x0  }
0x12: {  	s1 =	sld [smem:$0x3F9E];
	s0 =	simm.s32 @p0 $0x1  }
0x13: {  	[smem:$0x3FB9] =	sst s0;
	s0 =	simm.s32 @!p1 $0x0  }
0x14: {  	s2 =	sld [smem:$0x3F9D];
	s0 =	simm.s32 @p1 $0x1  }
0x15: {  	[smem:$0x3FBA] =	sst s0;
	s0 =	simm.s32 @!p2 $0x0  }
0x16: {  	s3 =	sld [smem:$0x3FDB];
	s0 =	simm.s32 @p2 $0x1  }
0x17: {  	s4 =	simm.s32 $0x1BF5;
	[smem:$0x3FBC] =	sst s0  }
0x18: {  	s0 =	sld [smem:$0x3F9F];
	_ =	swait.ge [sflag:s4], $0x0  }
0x19: {  	s7 =	sld [smem:$0x3FA0]  }
0x1a: {  	s8 =	sadd.s32 $0xFFFFE003, lr  }
0x1b: {  	s9 =	sadd.s32 $0xFFFFFEF7, lr;
	s5 =	simm.s32 $0xFFFFFFFF;
	p2 =	slt.u32 s8, $0xFFFFF086  }
0x1c: {  	p1 =	slt.u32 s9, $0xF7A;
	s5 =	simm.s32 @!p2 $0x0  }
0x1d: {  	s5 =	simm.s32 @p1 $0x1;
	p0 =	seq.s32 s7, s2  }
0x1e: {  	s7 =	smul.u32 @!p0 $0xF7A, s2;
	p2 =	seq.s32 @!p0 s5, $0x0  }
0x1f: {  	s9 =	smul.u32 $0xF7A, s1;
	s8 =	simm.s32 @!p0 $0x1BF5;
	p2 =	por !p2, p0  }
0x20: {  	[sflag:s8] =	ssyncset.s32 @!p0 $0xFFFFF086;
	s6 =	sadd.s32 @!p0 s3, s7;
	s7 =	simm.s32 @!p0 $0x108  }
0x21: {  	s3 =	sadd.s32 s3, s9;
	s6 =	sadd.s32 @!p0 $0x88, s6;
	s7 =	simm.s32 @p2 $0x1082  }
0x22: {  	[simem:s7], [sflag:s8] =	dma.local @!p0 [hbm:s6], $0xF7A  }
0x23: {  	s9 =	sor.u32 $0xD0000000, s2;
	s6 =	simm.s32 $0x108;
	_ =	swait.ge @!p0 [sflag:s8], $0x0  }
0x24: {  	s3 =	sadd.s32 $0x88, s3;
	s6 =	simm.s32 @!p1 $0x1082;
	[sflag:s4] =	ssyncset.s32 $0xFFFFF086  }
0x25: {  	[simem:s6], [sflag:s4] =	dma.local [hbm:s3], $0xF7A  }
0x26: {  	[smem:$0x3FA0] =	sst s1;
	(tag) =	ssettag s2;
	_ =	strace s9  }
0x27: {  	s1 =	sld [smem:$0x3FB0]  }
0x28: {  	s2 =	sld [smem:$0x3FB1]  }
0x29: {  	s4 =	sld [smem:$0x3FB3]  }
0x2a: {  	p0 =	seq.s32 s5, $0x0;
	s5 =	sld [smem:$0x3FB4]  }
0x2b: {  	s6 =	sld [smem:$0x3FB5]  }
0x2c: {  	s7 =	sld [smem:$0x3FB6]  }
0x2d: {  	s3 =	simm.s32 $0x108;
	s8 =	sld [smem:$0x3FB7]  }
0x2e: {  	s3 =	simm.s32 @!p0 $0x1082;
	s9 =	sld [smem:$0x3FB8]  }
0x2f: {  	lr =	sadd.s32 s0, s3;
	s0 =	sld [smem:$0x3FAF]  }
0x30: {  	s3 =	sld [smem:$0x3FB2]  }
0x31: {  	[smem:$0x3FBB] =	sst s10  }
0x32: {  	s10 =	sld [smem:$0x3FB9];
	_ =	sdelay $0x3  }
0x33: {  	p0 =	seq.s32 s10, $0x1;
	s10 =	sld [smem:$0x3FBB];
	_ =	sdelay $0x3  }
0x34: {  	[smem:$0x3FBB] =	sst s10  }
0x35: {  	s10 =	sld [smem:$0x3FBA];
	_ =	sdelay $0x3  }
0x36: {  	p1 =	seq.s32 s10, $0x1;
	s10 =	sld [smem:$0x3FBB];
	_ =	sdelay $0x3  }
0x37: {  	[smem:$0x3FBB] =	sst s10  }
0x38: {  	s10 =	sld [smem:$0x3FBC]  }
0x39: {  	_ = 	snop;
	(pc) =	sbr.ind lr, $3  }
0x3a: {  	_ = 	snop  }
0x3b: {  	_ = 	snop  }
0x3c: {  	p2 =	seq.s32 s10, $0x1;
	s10 =	sld [smem:$0x3FBB]  }
0x3d: {  	_ =	shalt  }
0x3e: {  	_ =	shalt  }
0x3f: {  	_ =	shalt  }
0x40: {  	_ =	shalt  }
0x41: {  	_ =	shalt  }
0x42: {  	_ =	shalt  }
0x43: {  	_ =	shalt  }
0x44: {  	_ =	shalt  }
0x45: {  	_ =	shalt  }
0x46: {  	_ =	shalt  }
0x47: {  	_ =	shalt  }
0x48: {  	_ =	shalt  }
0x49: {  	_ =	shalt  }
0x4a: {  	_ =	shalt  }
0x4b: {  	_ =	shalt  }
0x4c: {  	_ =	shalt  }
0x4d: {  	_ =	shalt  }
0x4e: {  	_ =	shalt  }
0x4f: {  	_ =	shalt  }
0x50: {  	_ =	shalt  }
0x51: {  	_ =	shalt  }
0x52: {  	_ =	shalt  }
0x53: {  	_ =	shalt  }
0x54: {  	_ =	shalt  }
0x55: {  	_ =	shalt  }
0x56: {  	_ =	shalt  }
0x57: {  	_ =	shalt  }
0x58: {  	_ =	shalt  }
0x59: {  	_ =	shalt  }
0x5a: {  	_ =	shalt  }
0x5b: {  	_ =	shalt  }
0x5c: {  	_ =	shalt  }
0x5d: {  	_ =	shalt  }
0x5e: {  	_ =	shalt  }
0x5f: {  	_ =	shalt  }
0x60: {  	_ =	shalt  }
0x61: {  	_ =	shalt  }
0x62: {  	_ =	shalt  }
0x63: {  	_ =	shalt  }
0x64: {  	_ =	shalt  }
0x65: {  	_ =	shalt  }
0x66: {  	_ =	shalt  }
0x67: {  	_ =	shalt  }
0x68: {  	_ =	shalt  }
0x69: {  	_ =	shalt  }
0x6a: {  	_ =	shalt  }
0x6b: {  	_ =	shalt  }
0x6c: {  	_ =	shalt  }
0x6d: {  	_ =	shalt  }
0x6e: {  	_ =	shalt  }
0x6f: {  	_ =	shalt  }
0x70: {  	_ =	shalt  }
0x71: {  	_ =	shalt  }
0x72: {  	_ =	shalt  }
0x73: {  	_ =	shalt  }
0x74: {  	_ =	shalt  }
0x75: {  	_ =	shalt  }
0x76: {  	_ =	shalt  }
0x77: {  	_ =	shalt  }
0x78: {  	_ =	shalt  }
0x79: {  	_ =	shalt  }
0x7a: {  	_ =	shalt  }
0x7b: {  	_ =	shalt  }
0x7c: {  	_ =	shalt  }
0x7d: {  	_ =	shalt  }
0x7e: {  	_ =	shalt  }
0x7f: {  	_ =	shalt  }
0x80: {  	_ =	shalt  }
0x81: {  	_ =	shalt  }
0x82: {  	_ =	shalt  }
0x83: {  	_ =	shalt  }
0x84: {  	_ =	shalt  }
0x85: {  	_ =	shalt  }
0x86: {  	_ =	shalt  }
0x87: {  	_ =	shalt  }
.Lfunc_end0:
.L_simem_size_0:
called_computation_lowered:
.L_overlay_start_0:
0x88: {  	s2 =	sld [smem:$0x3FD9]  }
0x89: {  	s3 =	sld [smem:$0x3FFE];
	_ =	sdelay $0x1  }
0x8a: {  	s1 =	srdreg.scid  }
0x8b: {  	s0 =	sand.u32 $0x1, s1  }
0x8c: {  	s18 =	sshll.u32 s0, $0xA;
	s2 =	sadd.s32 s3, s2  }
0x8d: {  	s2 =	sadd.s32 s2, s18  }
0x8e: {  	[smem:$0x3FC7] =	sst s2  }
0x8f: {  	_ = 	snop  }
0x90: {  	s2 =	sld [smem:$0x3FC9]  }
0x91: {  	s19 =	sld [smem:$0x3FD0];
	(tm) =	ssettm $0x1  }
0x92: {  	s4 =	sld [smem:$0x3FFB];
	_ =	sdelay $0x3  }
0x93: {  	_ =	strace s4  }
0x94: {  	s4 =	sld [smem:$0x3FFC];
	_ =	sdelay $0x3  }
0x95: {  	_ =	strace s4  }
0x96: {  	s4 =	sld [smem:$0x3FFD];
	_ =	sdelay $0x3  }
0x97: {  	_ =	strace s4  }
0x98: {  	_ =	strace $0x8FFFFFFF  }
0x99: {  	s20 =	sld [smem:$0x3FDB];
	_ =	sdelay $0x1  }
0x9a: {  	s5 =	simm.s32 $_scs_section_size  }
0x9b: {  	s6 =	simm.s32 $_size__tile_overlayer_lowered;
	s7 =	simm.s32 $_tile_overlayer_lowered  }
0x9c: {  	s23 =	simm.s32 $0x1BFF;
	s22 =	sshll.u32 s7, $0x1;
	s4 =	sadd.s32 s5, s20  }
0x9d: {  	s8 =	simm.s32 $0x0;
	s21 =	sshll.u32 s6, $0x1;
	s6 =	sadd.s32 s22, s4  }
0x9e: {  	[timem:s8], [sflag:s23] =	dma.local [hbm:s6], s21  }
0x9f: {  	_ =	swait.ge [sflag:s23], s21  }
0xa0: {  	s5 =	ssub.s32 $0x0, s21;
	[sflag:s23] =	ssyncset.done $0x0  }
0xa1: {  	[sflag:s23] =	ssyncadd.s32 s5;
	_ =	sdelay $0x1  }
0xa2: {  	s24 =	simm.s32 $0x1B8B  }
0xa3: {  	_ =	swait.ge [sflag:s24], $0x1  }
0xa4: {  	[sflag:s24] =	ssyncset.done $0x0  }
0xa5: {  	s25 =	simm.s32 $0x1B8E;
	[sflag:s24] =	ssyncadd.s32 $0xFFFFFFFF  }
0xa6: {  	s26 =	simm.s32 $execute0_lowered;
	[smem:$0x3FD2] =	sst s25  }
0xa7: {  	s5 =	sshll.u32 s26, $0x1;
	_ =	strace $0x80000046;
	[dreg:$0x1] =	wrdreg $0xFFFFFFFF  }
0xa8: {  	s28 =	simm.s32 $_size_execute0_lowered;
	s4 =	sadd.s32 s4, s5;
	[dreg:$0x0] =	wrdreg $0x0  }
0xa9: {  	s5 =	sshll.u32 s28, $0x1;
	[dreg:$0x2] =	wrdreg s4  }
0xaa: {  	[dreg:$0x3] =	wrdreg s5  }
0xab: {  	[dreg:$0x4] =	wrdreg $0xC0  }
0xac: {  	_ =	task [dreg:s8], $0x5FFFF  }
0xad: {  	[dreg:$0x1] =	wrdreg $0xFFFFFFFF  }
0xae: {  	[dreg:$0x0] =	wrdreg $0x60  }
0xaf: {  	[dreg:$0x2] =	wrdreg s2  }
0xb0: {  	[dreg:$0x3] =	wrdreg s19  }
0xb1: {  	[dreg:$0x4] =	wrdreg $0x9  }
0xb2: {  	_ =	task.clear_ibuf [dreg:s8], $0x5FFFF;
	_ =	strace $0x90000046  }
0xb3: {  	s29 =	simm.s32 $0x9;
	_ =	strace $0x80000048  }
0xb4: {  	_ =	swait.ge [sflag:s29], $0x1  }
0xb5: {  	[sflag:s29] =	ssyncadd.s32 $0xFFFFFFFF  }
0xb6: {  	_ =	strace $0x90000048  }
0xb7: {  	_ =	sfence  }
0xb8: {  	s30 =	sld [smem:$0x0];
	_ =	sdelay $0x2  }
0xb9: {  	s31 =	sshll.u32 s1, $0xD;
	s1 =	sshrl.u32 s1, $0x2  }
0xba: {  	s3 =	sand.u32 $0x4000, s31;
	s1 =	sadd.s32 s1, s30  }
0xbb: {  	s0 =	sor.u32 s3, s0;
	s1 =	sshll.u32 s1, $0x11  }
0xbc: {  	s0 =	sor.u32 s1, s0  }
0xbd: {  	s0 =	sadd.s32 $0x8F2B, s0  }
0xbe: {  	[sflag:s0] =	ssyncadd.remote.s32 $0x1  }
0xbf: {  	_ =	sfence.sel $0xFFFF  }
0xc0: {  	[dreg:$0x0] =	wrdreg $0xFFFFFFFF;
	(pc) =	sbr.abs _section_cstart, $3  }
0xc1: {  	[dreg:$0x1] =	wrdreg $0xFFFFFFFF  }
0xc2: {  	_ =	task.clear_ibuf [dreg:s8], $0x2FFFF;
	_ =	strace $0x9FFFFFFF  }
0xc3: {  	(tm) =	ssettm $0x7FFFFFFF  }
tec
execute0_lowered:
.L_overlay_start_1:
0x0: {  	(tag) =	ssettag $0x1  }
0x1: {  	s15 =	rddreg [dreg:$0x0]  }
0x2: {  	s16 =	rddreg [dreg:$0x1];
	s2 =	srdreg.scid  }
0x3: {  	s0 =	rddreg [dreg:$0x2];
	s1 =	stileid.u32;
	s20 =	sand.u32 $0x1, s2  }
0x4: {  	s2 =	simm.s32 $0x0;
	s3 =	sshll.u32 s1, $0x10;
	s4 =	sshll.u32 s20, $0xF  }
0x5: {  	[smem:$0x7FF] =	sst s2;
	s17 =	sor.u32 s4, s3  }
0x6: {  	_ =	strace $0x80000047;
	s4 =	simm.s32 $0x2;
	s3 =	sadd.s32 s15, s17  }
0x7: {  	[tilespmem:s2], [sflag:$0x2] =	stream.linear.gather [hbm4b:s3+s2], $0x1E000, $0x38;
	[tilespmem:$0x1E000] =	vst v63  }
0x8: {  	_ =	swait.ge [sflag:s4], $0x1E000  }
0x9: {  	[sflag:s4] =	ssyncset.done $0x0  }
0xa: {  	s5 =	sadd.s32 s16, s17;
	[sflag:s4] =	ssyncadd.s32 $0xFFFE2000  }
0xb: {  	[hbm4b:s5+s2] =	stream.linear.scatter [tilespmem:s2], [sflag:$0x1], $0x1E000, $0x38;
	[tilespmem:$0x1E000] =	vst v63  }
0xc: {  	s6 =	sadd.s32 $0x100000, s5  }
0xd: {  	[hbm4b:s6+s2] =	stream.linear.scatter [tilespmem:s2], [sflag:$0x1], $0x1E000, $0x38;
	[tilespmem:$0x1E000] =	vst v63  }
0xe: {  	s7 =	sadd.s32 $0x200000, s5  }
0xf: {  	[hbm4b:s7+s2] =	stream.linear.scatter [tilespmem:s2], [sflag:$0x1], $0x1E000, $0x38;
	[tilespmem:$0x1E000] =	vst v63  }
0x10: {  	s8 =	simm.s32 $0x1;
	s9 =	sadd.s32 $0x300000, s5  }
0x11: {  	[hbm4b:s9+s2] =	stream.linear.scatter [tilespmem:s2], [sflag:$0x1], $0x1E000, $0x38;
	[tilespmem:$0x1E000] =	vst v63  }
0x12: {  	_ =	swait.ge [sflag:s8], $0x1E000  }
0x13: {  	[sflag:s8] =	ssyncset.done $0x0  }
0x14: {  	[sflag:s8] =	ssyncadd.s32 $0xFFFE2000  }
0x15: {  	_ =	swait.ge [sflag:s8], $0x1E000  }
0x16: {  	[sflag:s8] =	ssyncset.done $0x0  }
0x17: {  	[sflag:s8] =	ssyncadd.s32 $0xFFFE2000  }
0x18: {  	_ =	swait.ge [sflag:s8], $0x1E000  }
0x19: {  	[sflag:s8] =	ssyncset.done $0x0  }
0x1a: {  	[sflag:s8] =	ssyncadd.s32 $0xFFFE2000  }
0x1b: {  	_ =	swait.ge [sflag:s8], $0x1E000  }
0x1c: {  	s11 =	sor.u32 $0x3C00, s17;
	[sflag:s8] =	ssyncset.done $0x0  }
0x1d: {  	s10 =	sadd.s32 s15, s11;
	[sflag:s8] =	ssyncadd.s32 $0xFFFE2000  }
0x1e: {  	[tilespmem:s2], [sflag:$0x2] =	stream.linear.gather [hbm4b:s10+s2], $0x1E000, $0x38;
	[tilespmem:$0x1E000] =	vst v63  }
0x1f: {  	_ =	swait.ge [sflag:s4], $0x1E000  }
0x20: {  	[sflag:s4] =	ssyncset.done $0x0  }
0x21: {  	s11 =	sadd.s32 s16, s11;
	[sflag:s4] =	ssyncadd.s32 $0xFFFE2000  }
0x22: {  	[hbm4b:s11+s2] =	stream.linear.scatter [tilespmem:s2], [sflag:$0x1], $0x1E000, $0x38;
	[tilespmem:$0x1E000] =	vst v63  }
0x23: {  	s12 =	sadd.s32 $0x103C00, s5  }
0x24: {  	[hbm4b:s12+s2] =	stream.linear.scatter [tilespmem:s2], [sflag:$0x1], $0x1E000, $0x38;
	[tilespmem:$0x1E000] =	vst v63  }
0x25: {  	s13 =	sadd.s32 $0x203C00, s5  }
0x26: {  	[hbm4b:s13+s2] =	stream.linear.scatter [tilespmem:s2], [sflag:$0x1], $0x1E000, $0x38;
	[tilespmem:$0x1E000] =	vst v63  }
0x27: {  	s14 =	sadd.s32 $0x303C00, s5  }
0x28: {  	[hbm4b:s14+s2] =	stream.linear.scatter [tilespmem:s2], [sflag:$0x1], $0x1E000, $0x38;
	[tilespmem:$0x1E000] =	vst v63  }
0x29: {  	_ =	swait.ge [sflag:s8], $0x1E000  }
0x2a: {  	[sflag:s8] =	ssyncset.done $0x0  }
0x2b: {  	[sflag:s8] =	ssyncadd.s32 $0xFFFE2000  }
0x2c: {  	_ =	swait.ge [sflag:s8], $0x1E000  }
0x2d: {  	[sflag:s8] =	ssyncset.done $0x0  }
0x2e: {  	[sflag:s8] =	ssyncadd.s32 $0xFFFE2000  }
0x2f: {  	_ =	swait.ge [sflag:s8], $0x1E000  }
0x30: {  	[sflag:s8] =	ssyncset.done $0x0  }
0x31: {  	[sflag:s8] =	ssyncadd.s32 $0xFFFE2000  }
0x32: {  	_ =	swait.ge [sflag:s8], $0x1E000  }
0x33: {  	s17 =	sor.u32 $0x7800, s17;
	[sflag:s8] =	ssyncset.done $0x0  }
0x34: {  	s15 =	sadd.s32 s15, s17;
	[sflag:s8] =	ssyncadd.s32 $0xFFFE2000  }
0x35: {  	[tilespmem:s2], [sflag:$0x2] =	stream.linear.gather [hbm4b:s15+s2], $0x4000, $0x38;
	[tilespmem:$0x1E000] =	vst v63  }
0x36: {  	_ =	swait.ge [sflag:s4], $0x4000  }
0x37: {  	[sflag:s4] =	ssyncset.done $0x0  }
0x38: {  	s16 =	sadd.s32 s16, s17;
	[sflag:s4] =	ssyncadd.s32 $0xFFFFC000  }
0x39: {  	[hbm4b:s16+s2] =	stream.linear.scatter [tilespmem:s2], [sflag:$0x1], $0x4000, $0x38;
	[tilespmem:$0x1E000] =	vst v63  }
0x3a: {  	s17 =	sadd.s32 $0x107800, s5  }
0x3b: {  	[hbm4b:s17+s2] =	stream.linear.scatter [tilespmem:s2], [sflag:$0x1], $0x4000, $0x38;
	[tilespmem:$0x1E000] =	vst v63  }
0x3c: {  	s18 =	sadd.s32 $0x207800, s5  }
0x3d: {  	[hbm4b:s18+s2] =	stream.linear.scatter [tilespmem:s2], [sflag:$0x1], $0x4000, $0x38;
	[tilespmem:$0x1E000] =	vst v63  }
0x3e: {  	s19 =	sadd.s32 $0x307800, s5  }
0x3f: {  	[hbm4b:s19+s2] =	stream.linear.scatter [tilespmem:s2], [sflag:$0x1], $0x4000, $0x38;
	[tilespmem:$0x1E000] =	vst v63  }
0x40: {  	_ =	swait.ge [sflag:s8], $0x4000  }
0x41: {  	s20 =	ssub.s32 $0x2, s20;
	[sflag:s8] =	ssyncset.done $0x0  }
0x42: {  	s21 =	sshrl.u32 s20, $0x1;
	[sflag:s8] =	ssyncadd.s32 $0xFFFFC000  }
0x43: {  	s20 =	ssub.s32 s20, s21;
	_ =	swait.ge [sflag:s8], $0x4000  }
0x44: {  	s20 =	smax.u32 s20, $0x1;
	[sflag:s8] =	ssyncset.done $0x0  }
0x45: {  	p0 =	sne.s32 s20, $0x1;
	[sflag:s8] =	ssyncadd.s32 $0xFFFFC000  }
.Ltmp0:
0x46: {  	_ =	swait.ge [sflag:s8], $0x4000;
	(pc) =	sbr.rel @!p0 .LBB2_2-.Ltmp0, $4  }
0x47: {  	[sflag:s8] =	ssyncset.done $0x0  }
0x48: {  	[sflag:s8] =	ssyncadd.s32 $0xFFFFC000  }
0x49: {  	_ =	swait.ge [sflag:s8], $0x4000  }
0x4a: {  	s20 =	sadd.s32 $0xFFFFFFFF, s20;
	[sflag:s8] =	ssyncset.done $0x0  }
.LBB2_1:
0x4b: {  	p0 =	sne.s32 s20, $0x1;
	s20 =	sadd.s32 $0xFFFFFFFF, s20;
	[sflag:s8] =	ssyncadd.s32 $0xFFFFC000  }
0x4c: {  	[tilespmem:s2], [sflag:$0x2] =	stream.linear.gather [hbm4b:s3+s2], $0x1E000, $0x38;
	[tilespmem:$0x1E000] =	vst v63  }
0x4d: {  	_ =	swait.ge [sflag:s4], $0x1E000  }
0x4e: {  	[sflag:s4] =	ssyncset.done $0x0  }
0x4f: {  	[sflag:s4] =	ssyncadd.s32 $0xFFFE2000  }
0x50: {  	[hbm4b:s5+s2] =	stream.linear.scatter [tilespmem:s2], [sflag:$0x1], $0x1E000, $0x38;
	[tilespmem:$0x1E000] =	vst v63  }
0x51: {  	_ = 	snop  }
0x52: {  	[hbm4b:s6+s2] =	stream.linear.scatter [tilespmem:s2], [sflag:$0x1], $0x1E000, $0x38;
	[tilespmem:$0x1E000] =	vst v63  }
0x53: {  	_ = 	snop  }
0x54: {  	[hbm4b:s7+s2] =	stream.linear.scatter [tilespmem:s2], [sflag:$0x1], $0x1E000, $0x38;
	[tilespmem:$0x1E000] =	vst v63  }
0x55: {  	_ = 	snop  }
0x56: {  	[hbm4b:s9+s2] =	stream.linear.scatter [tilespmem:s2], [sflag:$0x1], $0x1E000, $0x38;
	[tilespmem:$0x1E000] =	vst v63  }
0x57: {  	_ =	swait.ge [sflag:s8], $0x1E000  }
0x58: {  	[sflag:s8] =	ssyncset.done $0x0  }
0x59: {  	[sflag:s8] =	ssyncadd.s32 $0xFFFE2000  }
0x5a: {  	_ =	swait.ge [sflag:s8], $0x1E000  }
0x5b: {  	[sflag:s8] =	ssyncset.done $0x0  }
0x5c: {  	[sflag:s8] =	ssyncadd.s32 $0xFFFE2000  }
0x5d: {  	_ =	swait.ge [sflag:s8], $0x1E000  }
0x5e: {  	[sflag:s8] =	ssyncset.done $0x0  }
0x5f: {  	[sflag:s8] =	ssyncadd.s32 $0xFFFE2000  }
0x60: {  	_ =	swait.ge [sflag:s8], $0x1E000  }
0x61: {  	[sflag:s8] =	ssyncset.done $0x0  }
0x62: {  	[sflag:s8] =	ssyncadd.s32 $0xFFFE2000  }
0x63: {  	[tilespmem:s2], [sflag:$0x2] =	stream.linear.gather [hbm4b:s10+s2], $0x1E000, $0x38;
	[tilespmem:$0x1E000] =	vst v63  }
0x64: {  	_ =	swait.ge [sflag:s4], $0x1E000  }
0x65: {  	[sflag:s4] =	ssyncset.done $0x0  }
0x66: {  	[sflag:s4] =	ssyncadd.s32 $0xFFFE2000  }
0x67: {  	[hbm4b:s11+s2] =	stream.linear.scatter [tilespmem:s2], [sflag:$0x1], $0x1E000, $0x38;
	[tilespmem:$0x1E000] =	vst v63  }
0x68: {  	_ = 	snop  }
0x69: {  	[hbm4b:s12+s2] =	stream.linear.scatter [tilespmem:s2], [sflag:$0x1], $0x1E000, $0x38;
	[tilespmem:$0x1E000] =	vst v63  }
0x6a: {  	_ = 	snop  }
0x6b: {  	[hbm4b:s13+s2] =	stream.linear.scatter [tilespmem:s2], [sflag:$0x1], $0x1E000, $0x38;
	[tilespmem:$0x1E000] =	vst v63  }
0x6c: {  	_ = 	snop  }
0x6d: {  	[hbm4b:s14+s2] =	stream.linear.scatter [tilespmem:s2], [sflag:$0x1], $0x1E000, $0x38;
	[tilespmem:$0x1E000] =	vst v63  }
0x6e: {  	_ =	swait.ge [sflag:s8], $0x1E000  }
0x6f: {  	[sflag:s8] =	ssyncset.done $0x0  }
0x70: {  	[sflag:s8] =	ssyncadd.s32 $0xFFFE2000  }
0x71: {  	_ =	swait.ge [sflag:s8], $0x1E000  }
0x72: {  	[sflag:s8] =	ssyncset.done $0x0  }
0x73: {  	[sflag:s8] =	ssyncadd.s32 $0xFFFE2000  }
0x74: {  	_ =	swait.ge [sflag:s8], $0x1E000  }
0x75: {  	[sflag:s8] =	ssyncset.done $0x0  }
0x76: {  	[sflag:s8] =	ssyncadd.s32 $0xFFFE2000  }
0x77: {  	_ =	swait.ge [sflag:s8], $0x1E000  }
0x78: {  	[sflag:s8] =	ssyncset.done $0x0  }
0x79: {  	[sflag:s8] =	ssyncadd.s32 $0xFFFE2000  }
0x7a: {  	[tilespmem:s2], [sflag:$0x2] =	stream.linear.gather [hbm4b:s15+s2], $0x4000, $0x38;
	[tilespmem:$0x1E000] =	vst v63  }
0x7b: {  	_ =	swait.ge [sflag:s4], $0x4000  }
0x7c: {  	[sflag:s4] =	ssyncset.done $0x0  }
0x7d: {  	[sflag:s4] =	ssyncadd.s32 $0xFFFFC000  }
0x7e: {  	[hbm4b:s16+s2] =	stream.linear.scatter [tilespmem:s2], [sflag:$0x1], $0x4000, $0x38;
	[tilespmem:$0x1E000] =	vst v63  }
0x7f: {  	_ = 	snop  }
0x80: {  	[hbm4b:s17+s2] =	stream.linear.scatter [tilespmem:s2], [sflag:$0x1], $0x4000, $0x38;
	[tilespmem:$0x1E000] =	vst v63  }
0x81: {  	_ = 	snop  }
0x82: {  	[hbm4b:s18+s2] =	stream.linear.scatter [tilespmem:s2], [sflag:$0x1], $0x4000, $0x38;
	[tilespmem:$0x1E000] =	vst v63  }
0x83: {  	_ = 	snop  }
0x84: {  	[hbm4b:s19+s2] =	stream.linear.scatter [tilespmem:s2], [sflag:$0x1], $0x4000, $0x38;
	[tilespmem:$0x1E000] =	vst v63  }
0x85: {  	_ =	swait.ge [sflag:s8], $0x4000  }
0x86: {  	[sflag:s8] =	ssyncset.done $0x0  }
0x87: {  	[sflag:s8] =	ssyncadd.s32 $0xFFFFC000  }
0x88: {  	_ =	swait.ge [sflag:s8], $0x4000  }
0x89: {  	[sflag:s8] =	ssyncset.done $0x0  }
0x8a: {  	[sflag:s8] =	ssyncadd.s32 $0xFFFFC000  }
.Ltmp1:
0x8b: {  	_ =	swait.ge [sflag:s8], $0x4000;
	(pc) =	sbr.rel @p0 .LBB2_1-.Ltmp1, $4  }
0x8c: {  	[sflag:s8] =	ssyncset.done $0x0  }
0x8d: {  	[sflag:s8] =	ssyncadd.s32 $0xFFFFC000  }
0x8e: {  	_ =	swait.ge [sflag:s8], $0x4000  }
0x8f: {  	[sflag:s8] =	ssyncset.done $0x0  }
.LBB2_2:
0x90: {  	[sflag:s8] =	ssyncadd.s32 $0xFFFFC000  }
0x91: {  	_ =	sfence.sel $0x180000  }
0x92: {  	[bflag:$0x0] =	sbarrier.arrive $0xFFFF  }
0x93: {  	p0 =	sne.s32 s1, $0x0;
	_ =	strace $0x90000047  }
0x94: {  	s0 =	sadd.s32 @!p0 $0x100000, s0;
	[bflag:$0x2] =	sbarrier.arrive $0xFFFF  }
0x95: {  	[sflag:s0] =	ssyncadd.tile.s32 @!p0 $0x1;
	_ =	shalt  }
.Lfunc_end2:
_tile_overlayer_lowered:
.L_overlay_start_2:
0x96: {  	(tag) =	ssettag $0x2  }
0x97: {  	s0 =	rddreg [dreg:$0x0];
	s2 =	stileid.u32  }
0x98: {  	s1 =	rddreg [dreg:$0x1];
	p0 =	sne.s32 s2, $0x0  }
0x99: {  	s3 =	rddreg [dreg:$0x2];
	[bflag:$0x3] =	sbarrier.arrive $0xFFFF;
	s2 =	simm.s32 @!p0 $0x1C02  }
0x9a: {  	[timem:s3], [sflag:s2] =	dma.local @!p0 [hbm:s0], s1  }
0x9b: {  	s0 =	simm.s32 @!p0 $0x2  }
0x9c: {  	_ =	swait.ge @!p0 [sflag:s0], s1  }
0x9d: {  	s1 =	ssub.s32 @!p0 $0x0, s1;
	[sflag:s0] =	ssyncset.done @!p0 $0x0  }
0x9e: {  	[sflag:s0] =	ssyncadd.s32 @!p0 s1  }
0x9f: {  	[bflag:$0x3] =	sbarrier.arrive $0xFFFF  }
0xa0: {  	_ =	shalt  }

</sc_bundles>
